<compile_context>
chip_gen: v7x
topology: tpu7x:2x2x1
jax: 0.10.2.dev20260603
libtpu: 0.0.44.dev20260713+nightly
codegen_flags: <defaults>
</compile_context>

<pallas_src>
import functools

import jax
import jax.numpy as jnp
from jax import lax
from jax.experimental import pallas as pl
from jax.experimental.pallas import tpu as pltpu
from jax.experimental.pallas import tpu_sc as plsc

N_ROWS = 1000000
B_SIZE = 16384

NC = 2
NS = 16
NW = NC * NS
BPW = B_SIZE // NW
IDX_ROWS = BPW // 128

SLICE = 31744
N_CHUNKS = 4
CHUNK = SLICE // N_CHUNKS
UNROLL = 16
N_ITER = CHUNK // (16 * UNROLL)


@functools.cache
def _sc_gather_and_max():
    mesh = plsc.VectorSubcoreMesh(
        core_axis_name="c", subcore_axis_name="s", num_cores=NC, num_subcores=NS
    )

    @functools.partial(
        pl.kernel,
        out_type=(
            jax.ShapeDtypeStruct((B_SIZE // 128, 128), jnp.float32),
            jax.ShapeDtypeStruct((NW, 16), jnp.float32),
        ),
        mesh=mesh,
        scratch_types=(
            pltpu.VMEM((IDX_ROWS, 128), jnp.int32),
            pltpu.VMEM((IDX_ROWS, 128), jnp.float32),
            pltpu.VMEM((SLICE,), jnp.float32),
            pltpu.VMEM((16,), jnp.float32),
            pltpu.SemaphoreType.DMA,
            pltpu.SemaphoreType.DMA,
        ),
    )
    def k(item_hbm, tbl_hbm, outg_hbm, outp_hbm, idx_v, rows_v, tbl_v, pm_v,
          sem_g, sem_t):
        wid = lax.axis_index("s") * NC + lax.axis_index("c")
        tbl_lin = tbl_hbm.at[0]

        start = jnp.minimum(wid * SLICE, N_ROWS - SLICE)
        chunks = [
            pltpu.async_copy(
                tbl_lin.at[pl.ds(start + c * CHUNK, CHUNK)],
                tbl_v.at[pl.ds(c * CHUNK, CHUNK)],
                sem_t,
            )
            for c in range(N_CHUNKS)
        ]
        pltpu.sync_copy(item_hbm.at[pl.ds(wid * IDX_ROWS, IDX_ROWS)], idx_v)
        gathers = [
            pltpu.async_copy(tbl_lin.at[idx_v.at[j]], rows_v.at[j], sem_g)
            for j in range(IDX_ROWS)
        ]

        accs = tuple(
            jnp.full((16,), -jnp.inf, jnp.float32) for _ in range(UNROLL)
        )
        for c in range(N_CHUNKS):
            chunks[c].wait()

            def body(i, a, _c=c):
                base = _c * CHUNK + i * (UNROLL * 16)
                return tuple(
                    jnp.maximum(a[j], tbl_v[pl.ds(base + j * 16, 16)])
                    for j in range(UNROLL)
                )

            accs = lax.fori_loop(0, N_ITER, body, accs)
        acc = functools.reduce(jnp.maximum, accs)

        for g in gathers:
            g.wait()
        gacc = jnp.full((16,), -jnp.inf, jnp.float32)
        for j in range(IDX_ROWS):
            for q in range(8):
                gacc = jnp.maximum(gacc, rows_v[j, pl.ds(q * 16, 16)])
        acc = jnp.maximum(acc, gacc + 1.0)

        pm_v[...] = acc
        pltpu.sync_copy(pm_v, outp_hbm.at[wid])
        pltpu.sync_copy(rows_v, outg_hbm.at[pl.ds(wid * IDX_ROWS, IDX_ROWS)])

    return k


def _combine_body(g_ref, p_ref, o_ref):
    mc = jnp.max(p_ref[...])
    o_ref[...] = (g_ref[...] + 1.0) * (1.0 / mc)


def kernel(item_cnt, item):
    tbl1x = item_cnt.reshape(1, N_ROWS)
    item2d = item.reshape(B_SIZE // 128, 128)
    gathered2d, partials = _sc_gather_and_max()(item2d, tbl1x)
    out2d = pl.pallas_call(
        _combine_body,
        out_shape=jax.ShapeDtypeStruct((B_SIZE // 128, 128), jnp.float32),
    )(gathered2d, partials)
    return out2d.reshape(B_SIZE)

# --- scband reference (transcript-rebuilt; emitter-appended) ---
"""Pipeline reference for scband-pop-80487687127535 (READ-ONLY COPY).

The authoritative reference and input builder live on the scoring server;
editing this copy changes nothing except your own understanding.
"""

import jax, jax.numpy as jnp
import numpy as np

N_ITEMS = 1000000
BATCH = 16384


def setup_inputs(seed: int = 0) -> dict:
    key = jax.random.key(seed)
    k1, k2 = jax.random.split(key)
    item = jax.random.randint(k1, (BATCH,), 0, N_ITEMS, dtype=jnp.int32)
    # popularity count table (state/'parameter' of the Pop model), sized per max_item_num
    item_cnt = jnp.zeros((N_ITEMS, 1), dtype=jnp.float32)
    return {"item_cnt": item_cnt, "item": item}


def reference(item_cnt, item):
    # Faithful translation of Pop.calculate_loss (count update) + Pop.predict.
    # torch: self.item_cnt[item, :] = self.item_cnt[item, :] + 1
    # This is a gather, add-one, scatter-OVERWRITE (duplicate indices count once),
    # which maps to .at[idx].set in jax (last write wins, same final value here).
    gathered = item_cnt[item]                      # gather [B, 1]
    cnt = item_cnt.at[item].set(gathered + 1.0)    # scatter-overwrite [N, 1]
    # self.max_cnt = torch.max(self.item_cnt, dim=0)[0]
    max_cnt = jnp.max(cnt, axis=0)                 # [1]
    # predict: true_divide(item_cnt[item, :], max_cnt).squeeze(-1)
    result = cnt[item] / max_cnt                   # gather + divide [B, 1]
    return result.squeeze(-1)                      # [B]

if __name__ == "__main__":
    import jax
    _d = setup_inputs()
    print(jax.jit(kernel)(*tuple(_d.values())))

</pallas_src>

<mosaic_0001>
#map = affine_map<(d0, d1) -> (0, 0)>
module attributes {stable_mosaic.version = 14 : i64} {
  func.func @k(%arg0: i32, %arg1: i32, %arg2: memref<128x128xi32, #tpu.memory_space<hbm>>, %arg3: memref<1x1000000xf32, #tpu.memory_space<hbm>>, %arg4: memref<128x128xf32, #tpu.memory_space<hbm>>, %arg5: memref<32x16xf32, #tpu.memory_space<hbm>>, %arg6: memref<4x128xi32, #tpu.memory_space<vmem>>, %arg7: memref<4x128xf32, #tpu.memory_space<vmem>>, %arg8: memref<31744xf32, #tpu.memory_space<vmem>>, %arg9: memref<16xf32, #tpu.memory_space<vmem>>, %arg10: memref<!tpu.dma_semaphore, #tpu.memory_space<semaphore_mem>>, %arg11: memref<!tpu.dma_semaphore, #tpu.memory_space<semaphore_mem>>) attributes {dimension_semantics = [#tpu.dimension_semantics<core_parallel>, #tpu.dimension_semantics<subcore_parallel>], iteration_bounds = array<i64: 2, 16>, scalar_prefetch = 0 : i64, scratch_operands = 6 : i64, tpu.core_type = #tpu.core_type<sc_vector_subcore>, window_params = [{transform_indices = #map}, {transform_indices = #map}, {transform_indices = #map}, {transform_indices = #map}]} {
    %mul3A = arith.constant 2 : i32
    %mul3A_0 = arith.muli %arg1, %mul3A : i32
    %add3A = arith.addi %mul3A_0, %arg0 : i32
    %mul3A_1 = arith.constant 31744 : i32
    %mul3A_2 = arith.muli %add3A, %mul3A_1 : i32
    %min3A = arith.constant 968256 : i32
    %min3A_3 = arith.minsi %mul3A_2, %min3A : i32
    %add3A_4 = arith.constant 0 : i32
    %add3A_5 = arith.addi %min3A_3, %add3A_4 : i32
    %dma_start3A = arith.constant 0 : i32
    %dma_start3A_6 = arith.constant 0 : i32
    %dma_start3A_7 = tpu.memref_slice %arg8[%dma_start3A_6] : memref<31744xf32, #tpu.memory_space<vmem>> -> memref<7936xf32, #tpu.memory_space<vmem>>
    %dma_start3A_8 = arith.constant 0 : i32
    %dma_start3A_9 = tpu.memref_slice %arg3[%dma_start3A, %dma_start3A_8] : memref<1x1000000xf32, #tpu.memory_space<hbm>> -> memref<1x1000000xf32, #tpu.memory_space<hbm>>
    %dma_start3A_10 = tpu.memref_squeeze %dma_start3A_9 : memref<1x1000000xf32, #tpu.memory_space<hbm>> -> memref<1000000xf32, #tpu.memory_space<hbm>>
    %dma_start3A_11 = tpu.memref_slice %dma_start3A_10[%add3A_5] : memref<1000000xf32, #tpu.memory_space<hbm>> -> memref<7936xf32, #tpu.memory_space<hbm>>
    %dma_start3A_12 = arith.constant 0 : i32
    %dma_start3A_13 = tpu.memref_slice %arg8[%dma_start3A_12] : memref<31744xf32, #tpu.memory_space<vmem>> -> memref<7936xf32, #tpu.memory_space<vmem>>
    %dma_start3A_14 = arith.constant 0 : i32
    %dma_start3A_15 = tpu.memref_slice %arg3[%dma_start3A, %dma_start3A_14] : memref<1x1000000xf32, #tpu.memory_space<hbm>> -> memref<1x1000000xf32, #tpu.memory_space<hbm>>
    %dma_start3A_16 = tpu.memref_squeeze %dma_start3A_15 : memref<1x1000000xf32, #tpu.memory_space<hbm>> -> memref<1000000xf32, #tpu.memory_space<hbm>>
    %dma_start3A_17 = tpu.memref_slice %dma_start3A_16[%add3A_5] : memref<1000000xf32, #tpu.memory_space<hbm>> -> memref<7936xf32, #tpu.memory_space<hbm>>
    tpu.enqueue_dma source(%dma_start3A_17 : memref<7936xf32, #tpu.memory_space<hbm>>) target(%dma_start3A_13 : memref<7936xf32, #tpu.memory_space<vmem>>) target_semaphore(%arg11 : memref<!tpu.dma_semaphore, #tpu.memory_space<semaphore_mem>>)
    %add3A_18 = arith.constant 7936 : i32
    %add3A_19 = arith.addi %min3A_3, %add3A_18 : i32
    %dma_start3A_20 = arith.constant 0 : i32
    %dma_start3A_21 = arith.constant 7936 : i32
    %dma_start3A_22 = tpu.memref_slice %arg8[%dma_start3A_21] : memref<31744xf32, #tpu.memory_space<vmem>> -> memref<7936xf32, #tpu.memory_space<vmem>>
    %dma_start3A_23 = arith.constant 0 : i32
    %dma_start3A_24 = tpu.memref_slice %arg3[%dma_start3A_20, %dma_start3A_23] : memref<1x1000000xf32, #tpu.memory_space<hbm>> -> memref<1x1000000xf32, #tpu.memory_space<hbm>>
    %dma_start3A_25 = tpu.memref_squeeze %dma_start3A_24 : memref<1x1000000xf32, #tpu.memory_space<hbm>> -> memref<1000000xf32, #tpu.memory_space<hbm>>
    %dma_start3A_26 = tpu.memref_slice %dma_start3A_25[%add3A_19] : memref<1000000xf32, #tpu.memory_space<hbm>> -> memref<7936xf32, #tpu.memory_space<hbm>>
    %dma_start3A_27 = arith.constant 7936 : i32
    %dma_start3A_28 = tpu.memref_slice %arg8[%dma_start3A_27] : memref<31744xf32, #tpu.memory_space<vmem>> -> memref<7936xf32, #tpu.memory_space<vmem>>
    %dma_start3A_29 = arith.constant 0 : i32
    %dma_start3A_30 = tpu.memref_slice %arg3[%dma_start3A_20, %dma_start3A_29] : memref<1x1000000xf32, #tpu.memory_space<hbm>> -> memref<1x1000000xf32, #tpu.memory_space<hbm>>
    %dma_start3A_31 = tpu.memref_squeeze %dma_start3A_30 : memref<1x1000000xf32, #tpu.memory_space<hbm>> -> memref<1000000xf32, #tpu.memory_space<hbm>>
    %dma_start3A_32 = tpu.memref_slice %dma_start3A_31[%add3A_19] : memref<1000000xf32, #tpu.memory_space<hbm>> -> memref<7936xf32, #tpu.memory_space<hbm>>
    tpu.enqueue_dma source(%dma_start3A_32 : memref<7936xf32, #tpu.memory_space<hbm>>) target(%dma_start3A_28 : memref<7936xf32, #tpu.memory_space<vmem>>) target_semaphore(%arg11 : memref<!tpu.dma_semaphore, #tpu.memory_space<semaphore_mem>>)
    %add3A_33 = arith.constant 15872 : i32
    %add3A_34 = arith.addi %min3A_3, %add3A_33 : i32
    %dma_start3A_35 = arith.constant 0 : i32
    %dma_start3A_36 = arith.constant 15872 : i32
    %dma_start3A_37 = tpu.memref_slice %arg8[%dma_start3A_36] : memref<31744xf32, #tpu.memory_space<vmem>> -> memref<7936xf32, #tpu.memory_space<vmem>>
    %dma_start3A_38 = arith.constant 0 : i32
    %dma_start3A_39 = tpu.memref_slice %arg3[%dma_start3A_35, %dma_start3A_38] : memref<1x1000000xf32, #tpu.memory_space<hbm>> -> memref<1x1000000xf32, #tpu.memory_space<hbm>>
    %dma_start3A_40 = tpu.memref_squeeze %dma_start3A_39 : memref<1x1000000xf32, #tpu.memory_space<hbm>> -> memref<1000000xf32, #tpu.memory_space<hbm>>
    %dma_start3A_41 = tpu.memref_slice %dma_start3A_40[%add3A_34] : memref<1000000xf32, #tpu.memory_space<hbm>> -> memref<7936xf32, #tpu.memory_space<hbm>>
    %dma_start3A_42 = arith.constant 15872 : i32
    %dma_start3A_43 = tpu.memref_slice %arg8[%dma_start3A_42] : memref<31744xf32, #tpu.memory_space<vmem>> -> memref<7936xf32, #tpu.memory_space<vmem>>
    %dma_start3A_44 = arith.constant 0 : i32
    %dma_start3A_45 = tpu.memref_slice %arg3[%dma_start3A_35, %dma_start3A_44] : memref<1x1000000xf32, #tpu.memory_space<hbm>> -> memref<1x1000000xf32, #tpu.memory_space<hbm>>
    %dma_start3A_46 = tpu.memref_squeeze %dma_start3A_45 : memref<1x1000000xf32, #tpu.memory_space<hbm>> -> memref<1000000xf32, #tpu.memory_space<hbm>>
    %dma_start3A_47 = tpu.memref_slice %dma_start3A_46[%add3A_34] : memref<1000000xf32, #tpu.memory_space<hbm>> -> memref<7936xf32, #tpu.memory_space<hbm>>
    tpu.enqueue_dma source(%dma_start3A_47 : memref<7936xf32, #tpu.memory_space<hbm>>) target(%dma_start3A_43 : memref<7936xf32, #tpu.memory_space<vmem>>) target_semaphore(%arg11 : memref<!tpu.dma_semaphore, #tpu.memory_space<semaphore_mem>>)
    %add3A_48 = arith.constant 23808 : i32
    %add3A_49 = arith.addi %min3A_3, %add3A_48 : i32
    %dma_start3A_50 = arith.constant 0 : i32
    %dma_start3A_51 = arith.constant 23808 : i32
    %dma_start3A_52 = tpu.memref_slice %arg8[%dma_start3A_51] : memref<31744xf32, #tpu.memory_space<vmem>> -> memref<7936xf32, #tpu.memory_space<vmem>>
    %dma_start3A_53 = arith.constant 0 : i32
    %dma_start3A_54 = tpu.memref_slice %arg3[%dma_start3A_50, %dma_start3A_53] : memref<1x1000000xf32, #tpu.memory_space<hbm>> -> memref<1x1000000xf32, #tpu.memory_space<hbm>>
    %dma_start3A_55 = tpu.memref_squeeze %dma_start3A_54 : memref<1x1000000xf32, #tpu.memory_space<hbm>> -> memref<1000000xf32, #tpu.memory_space<hbm>>
    %dma_start3A_56 = tpu.memref_slice %dma_start3A_55[%add3A_49] : memref<1000000xf32, #tpu.memory_space<hbm>> -> memref<7936xf32, #tpu.memory_space<hbm>>
    %dma_start3A_57 = arith.constant 23808 : i32
    %dma_start3A_58 = tpu.memref_slice %arg8[%dma_start3A_57] : memref<31744xf32, #tpu.memory_space<vmem>> -> memref<7936xf32, #tpu.memory_space<vmem>>
    %dma_start3A_59 = arith.constant 0 : i32
    %dma_start3A_60 = tpu.memref_slice %arg3[%dma_start3A_50, %dma_start3A_59] : memref<1x1000000xf32, #tpu.memory_space<hbm>> -> memref<1x1000000xf32, #tpu.memory_space<hbm>>
    %dma_start3A_61 = tpu.memref_squeeze %dma_start3A_60 : memref<1x1000000xf32, #tpu.memory_space<hbm>> -> memref<1000000xf32, #tpu.memory_space<hbm>>
    %dma_start3A_62 = tpu.memref_slice %dma_start3A_61[%add3A_49] : memref<1000000xf32, #tpu.memory_space<hbm>> -> memref<7936xf32, #tpu.memory_space<hbm>>
    tpu.enqueue_dma source(%dma_start3A_62 : memref<7936xf32, #tpu.memory_space<hbm>>) target(%dma_start3A_58 : memref<7936xf32, #tpu.memory_space<vmem>>) target_semaphore(%arg11 : memref<!tpu.dma_semaphore, #tpu.memory_space<semaphore_mem>>)
    %mul3A_63 = arith.constant 4 : i32
    %mul3A_64 = arith.muli %add3A, %mul3A_63 : i32
    "tpu.region"() ({
      %run_scoped3A = tpu.sem_alloc : memref<!tpu.dma_semaphore, #tpu.memory_space<semaphore_mem>>
      %dma_start3A_498 = arith.constant 0 : i32
      %dma_start3A_499 = tpu.memref_slice %arg2[%mul3A_64, %dma_start3A_498] : memref<128x128xi32, #tpu.memory_space<hbm>> -> memref<4x128xi32, #tpu.memory_space<hbm>>
      %dma_start3A_500 = arith.constant 0 : i32
      %dma_start3A_501 = tpu.memref_slice %arg2[%mul3A_64, %dma_start3A_500] : memref<128x128xi32, #tpu.memory_space<hbm>> -> memref<4x128xi32, #tpu.memory_space<hbm>>
      tpu.enqueue_dma source(%dma_start3A_501 : memref<4x128xi32, #tpu.memory_space<hbm>>) target(%arg6 : memref<4x128xi32, #tpu.memory_space<vmem>>) target_semaphore(%run_scoped3A : memref<!tpu.dma_semaphore, #tpu.memory_space<semaphore_mem>>)
      %dma_wait3A_502 = arith.constant 0 : i32
      %dma_wait3A_503 = tpu.memref_slice %arg2[%mul3A_64, %dma_wait3A_502] : memref<128x128xi32, #tpu.memory_space<hbm>> -> memref<4x128xi32, #tpu.memory_space<hbm>>
      %dma_wait3A_504 = arith.constant 0 : i32
      %dma_wait3A_505 = tpu.memref_slice %arg2[%mul3A_64, %dma_wait3A_504] : memref<128x128xi32, #tpu.memory_space<hbm>> -> memref<4x128xi32, #tpu.memory_space<hbm>>
      tpu.wait_dma2 semaphore(%run_scoped3A : memref<!tpu.dma_semaphore, #tpu.memory_space<semaphore_mem>>) src(%dma_wait3A_505 : memref<4x128xi32, #tpu.memory_space<hbm>>) dst(%arg6 : memref<4x128xi32, #tpu.memory_space<vmem>>)
      tpu.yield
    }) : () -> ()
    %dma_start3A_65 = arith.constant 0 : i32
    %dma_start3A_66 = arith.constant 0 : i32
    %dma_start3A_67 = arith.constant 0 : i32
    %dma_start3A_68 = arith.constant 0 : i32
    %dma_start3A_69 = tpu.memref_slice %arg7[%dma_start3A_67, %dma_start3A_68] : memref<4x128xf32, #tpu.memory_space<vmem>> -> memref<1x128xf32, #tpu.memory_space<vmem>>
    %dma_start3A_70 = tpu.memref_squeeze %dma_start3A_69 : memref<1x128xf32, #tpu.memory_space<vmem>> -> memref<128xf32, #tpu.memory_space<vmem>>
    %dma_start3A_71 = arith.constant 0 : i32
    %dma_start3A_72 = tpu.memref_slice %arg6[%dma_start3A_66, %dma_start3A_71] : memref<4x128xi32, #tpu.memory_space<vmem>> -> memref<1x128xi32, #tpu.memory_space<vmem>>
    %dma_start3A_73 = tpu.memref_squeeze %dma_start3A_72 : memref<1x128xi32, #tpu.memory_space<vmem>> -> memref<128xi32, #tpu.memory_space<vmem>>
    %dma_start3A_74 = arith.constant 0 : i32
    %dma_start3A_75 = tpu.memref_slice %arg3[%dma_start3A_65, %dma_start3A_74] : memref<1x1000000xf32, #tpu.memory_space<hbm>> -> memref<1x1000000xf32, #tpu.memory_space<hbm>>
    %dma_start3A_76 = tpu.memref_squeeze %dma_start3A_75 : memref<1x1000000xf32, #tpu.memory_space<hbm>> -> memref<1000000xf32, #tpu.memory_space<hbm>>
    %dma_start3A_77 = arith.constant 0 : i32
    %dma_start3A_78 = tpu.memref_slice %dma_start3A_76[%dma_start3A_77] : memref<1000000xf32, #tpu.memory_space<hbm>> -> memref<1000000xf32, #tpu.memory_space<hbm>>
    tpu.enqueue_indirect_dma source(%dma_start3A_78 : memref<1000000xf32, #tpu.memory_space<hbm>>) target(%dma_start3A_70 : memref<128xf32, #tpu.memory_space<vmem>>) offsets(%dma_start3A_73 : memref<128xi32, #tpu.memory_space<vmem>>) semaphore(%arg10 : memref<!tpu.dma_semaphore, #tpu.memory_space<semaphore_mem>>)
    %dma_start3A_79 = arith.constant 0 : i32
    %dma_start3A_80 = arith.constant 1 : i32
    %dma_start3A_81 = arith.constant 1 : i32
    %dma_start3A_82 = arith.constant 0 : i32
    %dma_start3A_83 = tpu.memref_slice %arg7[%dma_start3A_81, %dma_start3A_82] : memref<4x128xf32, #tpu.memory_space<vmem>> -> memref<1x128xf32, #tpu.memory_space<vmem>>
    %dma_start3A_84 = tpu.memref_squeeze %dma_start3A_83 : memref<1x128xf32, #tpu.memory_space<vmem>> -> memref<128xf32, #tpu.memory_space<vmem>>
    %dma_start3A_85 = arith.constant 0 : i32
    %dma_start3A_86 = tpu.memref_slice %arg6[%dma_start3A_80, %dma_start3A_85] : memref<4x128xi32, #tpu.memory_space<vmem>> -> memref<1x128xi32, #tpu.memory_space<vmem>>
    %dma_start3A_87 = tpu.memref_squeeze %dma_start3A_86 : memref<1x128xi32, #tpu.memory_space<vmem>> -> memref<128xi32, #tpu.memory_space<vmem>>
    %dma_start3A_88 = arith.constant 0 : i32
    %dma_start3A_89 = tpu.memref_slice %arg3[%dma_start3A_79, %dma_start3A_88] : memref<1x1000000xf32, #tpu.memory_space<hbm>> -> memref<1x1000000xf32, #tpu.memory_space<hbm>>
    %dma_start3A_90 = tpu.memref_squeeze %dma_start3A_89 : memref<1x1000000xf32, #tpu.memory_space<hbm>> -> memref<1000000xf32, #tpu.memory_space<hbm>>
    %dma_start3A_91 = arith.constant 0 : i32
    %dma_start3A_92 = tpu.memref_slice %dma_start3A_90[%dma_start3A_91] : memref<1000000xf32, #tpu.memory_space<hbm>> -> memref<1000000xf32, #tpu.memory_space<hbm>>
    tpu.enqueue_indirect_dma source(%dma_start3A_92 : memref<1000000xf32, #tpu.memory_space<hbm>>) target(%dma_start3A_84 : memref<128xf32, #tpu.memory_space<vmem>>) offsets(%dma_start3A_87 : memref<128xi32, #tpu.memory_space<vmem>>) semaphore(%arg10 : memref<!tpu.dma_semaphore, #tpu.memory_space<semaphore_mem>>)
    %dma_start3A_93 = arith.constant 0 : i32
    %dma_start3A_94 = arith.constant 2 : i32
    %dma_start3A_95 = arith.constant 2 : i32
    %dma_start3A_96 = arith.constant 0 : i32
    %dma_start3A_97 = tpu.memref_slice %arg7[%dma_start3A_95, %dma_start3A_96] : memref<4x128xf32, #tpu.memory_space<vmem>> -> memref<1x128xf32, #tpu.memory_space<vmem>>
    %dma_start3A_98 = tpu.memref_squeeze %dma_start3A_97 : memref<1x128xf32, #tpu.memory_space<vmem>> -> memref<128xf32, #tpu.memory_space<vmem>>
    %dma_start3A_99 = arith.constant 0 : i32
    %dma_start3A_100 = tpu.memref_slice %arg6[%dma_start3A_94, %dma_start3A_99] : memref<4x128xi32, #tpu.memory_space<vmem>> -> memref<1x128xi32, #tpu.memory_space<vmem>>
    %dma_start3A_101 = tpu.memref_squeeze %dma_start3A_100 : memref<1x128xi32, #tpu.memory_space<vmem>> -> memref<128xi32, #tpu.memory_space<vmem>>
    %dma_start3A_102 = arith.constant 0 : i32
    %dma_start3A_103 = tpu.memref_slice %arg3[%dma_start3A_93, %dma_start3A_102] : memref<1x1000000xf32, #tpu.memory_space<hbm>> -> memref<1x1000000xf32, #tpu.memory_space<hbm>>
    %dma_start3A_104 = tpu.memref_squeeze %dma_start3A_103 : memref<1x1000000xf32, #tpu.memory_space<hbm>> -> memref<1000000xf32, #tpu.memory_space<hbm>>
    %dma_start3A_105 = arith.constant 0 : i32
    %dma_start3A_106 = tpu.memref_slice %dma_start3A_104[%dma_start3A_105] : memref<1000000xf32, #tpu.memory_space<hbm>> -> memref<1000000xf32, #tpu.memory_space<hbm>>
    tpu.enqueue_indirect_dma source(%dma_start3A_106 : memref<1000000xf32, #tpu.memory_space<hbm>>) target(%dma_start3A_98 : memref<128xf32, #tpu.memory_space<vmem>>) offsets(%dma_start3A_101 : memref<128xi32, #tpu.memory_space<vmem>>) semaphore(%arg10 : memref<!tpu.dma_semaphore, #tpu.memory_space<semaphore_mem>>)
    %dma_start3A_107 = arith.constant 0 : i32
    %dma_start3A_108 = arith.constant 3 : i32
    %dma_start3A_109 = arith.constant 3 : i32
    %dma_start3A_110 = arith.constant 0 : i32
    %dma_start3A_111 = tpu.memref_slice %arg7[%dma_start3A_109, %dma_start3A_110] : memref<4x128xf32, #tpu.memory_space<vmem>> -> memref<1x128xf32, #tpu.memory_space<vmem>>
    %dma_start3A_112 = tpu.memref_squeeze %dma_start3A_111 : memref<1x128xf32, #tpu.memory_space<vmem>> -> memref<128xf32, #tpu.memory_space<vmem>>
    %dma_start3A_113 = arith.constant 0 : i32
    %dma_start3A_114 = tpu.memref_slice %arg6[%dma_start3A_108, %dma_start3A_113] : memref<4x128xi32, #tpu.memory_space<vmem>> -> memref<1x128xi32, #tpu.memory_space<vmem>>
    %dma_start3A_115 = tpu.memref_squeeze %dma_start3A_114 : memref<1x128xi32, #tpu.memory_space<vmem>> -> memref<128xi32, #tpu.memory_space<vmem>>
    %dma_start3A_116 = arith.constant 0 : i32
    %dma_start3A_117 = tpu.memref_slice %arg3[%dma_start3A_107, %dma_start3A_116] : memref<1x1000000xf32, #tpu.memory_space<hbm>> -> memref<1x1000000xf32, #tpu.memory_space<hbm>>
    %dma_start3A_118 = tpu.memref_squeeze %dma_start3A_117 : memref<1x1000000xf32, #tpu.memory_space<hbm>> -> memref<1000000xf32, #tpu.memory_space<hbm>>
    %dma_start3A_119 = arith.constant 0 : i32
    %dma_start3A_120 = tpu.memref_slice %dma_start3A_118[%dma_start3A_119] : memref<1000000xf32, #tpu.memory_space<hbm>> -> memref<1000000xf32, #tpu.memory_space<hbm>>
    tpu.enqueue_indirect_dma source(%dma_start3A_120 : memref<1000000xf32, #tpu.memory_space<hbm>>) target(%dma_start3A_112 : memref<128xf32, #tpu.memory_space<vmem>>) offsets(%dma_start3A_115 : memref<128xi32, #tpu.memory_space<vmem>>) semaphore(%arg10 : memref<!tpu.dma_semaphore, #tpu.memory_space<semaphore_mem>>)
    %broadcast_in_dim3A = arith.constant 0xFF800000 : f32
    %broadcast_in_dim3A_121 = vector.broadcast %broadcast_in_dim3A : f32 to vector<16xf32>
    %broadcast_in_dim3A_122 = arith.constant 0xFF800000 : f32
    %broadcast_in_dim3A_123 = vector.broadcast %broadcast_in_dim3A_122 : f32 to vector<16xf32>
    %broadcast_in_dim3A_124 = arith.constant 0xFF800000 : f32
    %broadcast_in_dim3A_125 = vector.broadcast %broadcast_in_dim3A_124 : f32 to vector<16xf32>
    %broadcast_in_dim3A_126 = arith.constant 0xFF800000 : f32
    %broadcast_in_dim3A_127 = vector.broadcast %broadcast_in_dim3A_126 : f32 to vector<16xf32>
    %broadcast_in_dim3A_128 = arith.constant 0xFF800000 : f32
    %broadcast_in_dim3A_129 = vector.broadcast %broadcast_in_dim3A_128 : f32 to vector<16xf32>
    %broadcast_in_dim3A_130 = arith.constant 0xFF800000 : f32
    %broadcast_in_dim3A_131 = vector.broadcast %broadcast_in_dim3A_130 : f32 to vector<16xf32>
    %broadcast_in_dim3A_132 = arith.constant 0xFF800000 : f32
    %broadcast_in_dim3A_133 = vector.broadcast %broadcast_in_dim3A_132 : f32 to vector<16xf32>
    %broadcast_in_dim3A_134 = arith.constant 0xFF800000 : f32
    %broadcast_in_dim3A_135 = vector.broadcast %broadcast_in_dim3A_134 : f32 to vector<16xf32>
    %broadcast_in_dim3A_136 = arith.constant 0xFF800000 : f32
    %broadcast_in_dim3A_137 = vector.broadcast %broadcast_in_dim3A_136 : f32 to vector<16xf32>
    %broadcast_in_dim3A_138 = arith.constant 0xFF800000 : f32
    %broadcast_in_dim3A_139 = vector.broadcast %broadcast_in_dim3A_138 : f32 to vector<16xf32>
    %broadcast_in_dim3A_140 = arith.constant 0xFF800000 : f32
    %broadcast_in_dim3A_141 = vector.broadcast %broadcast_in_dim3A_140 : f32 to vector<16xf32>
    %broadcast_in_dim3A_142 = arith.constant 0xFF800000 : f32
    %broadcast_in_dim3A_143 = vector.broadcast %broadcast_in_dim3A_142 : f32 to vector<16xf32>
    %broadcast_in_dim3A_144 = arith.constant 0xFF800000 : f32
    %broadcast_in_dim3A_145 = vector.broadcast %broadcast_in_dim3A_144 : f32 to vector<16xf32>
    %broadcast_in_dim3A_146 = arith.constant 0xFF800000 : f32
    %broadcast_in_dim3A_147 = vector.broadcast %broadcast_in_dim3A_146 : f32 to vector<16xf32>
    %broadcast_in_dim3A_148 = arith.constant 0xFF800000 : f32
    %broadcast_in_dim3A_149 = vector.broadcast %broadcast_in_dim3A_148 : f32 to vector<16xf32>
    %broadcast_in_dim3A_150 = arith.constant 0xFF800000 : f32
    %broadcast_in_dim3A_151 = vector.broadcast %broadcast_in_dim3A_150 : f32 to vector<16xf32>
    %dma_wait3A = arith.constant 0 : i32
    %dma_wait3A_152 = arith.constant 0 : i32
    %dma_wait3A_153 = tpu.memref_slice %arg8[%dma_wait3A_152] : memref<31744xf32, #tpu.memory_space<vmem>> -> memref<7936xf32, #tpu.memory_space<vmem>>
    %dma_wait3A_154 = arith.constant 0 : i32
    %dma_wait3A_155 = tpu.memref_slice %arg3[%dma_wait3A, %dma_wait3A_154] : memref<1x1000000xf32, #tpu.memory_space<hbm>> -> memref<1x1000000xf32, #tpu.memory_space<hbm>>
    %dma_wait3A_156 = tpu.memref_squeeze %dma_wait3A_155 : memref<1x1000000xf32, #tpu.memory_space<hbm>> -> memref<1000000xf32, #tpu.memory_space<hbm>>
    %dma_wait3A_157 = tpu.memref_slice %dma_wait3A_156[%add3A_5] : memref<1000000xf32, #tpu.memory_space<hbm>> -> memref<7936xf32, #tpu.memory_space<hbm>>
    %dma_wait3A_158 = arith.constant 0 : i32
    %dma_wait3A_159 = tpu.memref_slice %arg8[%dma_wait3A_158] : memref<31744xf32, #tpu.memory_space<vmem>> -> memref<7936xf32, #tpu.memory_space<vmem>>
    %dma_wait3A_160 = arith.constant 0 : i32
    %dma_wait3A_161 = tpu.memref_slice %arg3[%dma_wait3A, %dma_wait3A_160] : memref<1x1000000xf32, #tpu.memory_space<hbm>> -> memref<1x1000000xf32, #tpu.memory_space<hbm>>
    %dma_wait3A_162 = tpu.memref_squeeze %dma_wait3A_161 : memref<1x1000000xf32, #tpu.memory_space<hbm>> -> memref<1000000xf32, #tpu.memory_space<hbm>>
    %dma_wait3A_163 = tpu.memref_slice %dma_wait3A_162[%add3A_5] : memref<1000000xf32, #tpu.memory_space<hbm>> -> memref<7936xf32, #tpu.memory_space<hbm>>
    tpu.wait_dma2 semaphore(%arg11 : memref<!tpu.dma_semaphore, #tpu.memory_space<semaphore_mem>>) src(%dma_wait3A_163 : memref<7936xf32, #tpu.memory_space<hbm>>) dst(%dma_wait3A_159 : memref<7936xf32, #tpu.memory_space<vmem>>)
    %scan3A = arith.constant 0 : i32
    %scan3A_164 = arith.constant 31 : i32
    %scan3A_165 = arith.addi %scan3A, %scan3A_164 : i32
    %scan3A_166 = arith.constant 1 : i32
    %scan3A_167:16 = scf.for %scan3A_498 = %scan3A to %scan3A_165 step %scan3A_166 iter_args(%scan3A_499 = %broadcast_in_dim3A_121, %scan3A_500 = %broadcast_in_dim3A_123, %scan3A_501 = %broadcast_in_dim3A_125, %scan3A_502 = %broadcast_in_dim3A_127, %scan3A_503 = %broadcast_in_dim3A_129, %scan3A_504 = %broadcast_in_dim3A_131, %scan3A_505 = %broadcast_in_dim3A_133, %scan3A_506 = %broadcast_in_dim3A_135, %scan3A_507 = %broadcast_in_dim3A_137, %scan3A_508 = %broadcast_in_dim3A_139, %scan3A_509 = %broadcast_in_dim3A_141, %scan3A_510 = %broadcast_in_dim3A_143, %scan3A_511 = %broadcast_in_dim3A_145, %scan3A_512 = %broadcast_in_dim3A_147, %scan3A_513 = %broadcast_in_dim3A_149, %scan3A_514 = %broadcast_in_dim3A_151) -> (vector<16xf32>, vector<16xf32>, vector<16xf32>, vector<16xf32>, vector<16xf32>, vector<16xf32>, vector<16xf32>, vector<16xf32>, vector<16xf32>, vector<16xf32>, vector<16xf32>, vector<16xf32>, vector<16xf32>, vector<16xf32>, vector<16xf32>, vector<16xf32>)  : i32 {
      %mul3A_515 = arith.constant 256 : i32
      %mul3A_516 = arith.muli %scan3A_498, %mul3A_515 : i32
      %add3A_517 = arith.constant 0 : i32
      %add3A_518 = arith.addi %add3A_517, %mul3A_516 : i32
      %add3A_519 = arith.constant 0 : i32
      %add3A_520 = arith.addi %add3A_518, %add3A_519 : i32
      %get3A_521 = arith.index_cast %add3A_520 : i32 to index
      %get3A_522 = tpu.vector_load %arg8[%get3A_521] {strides = array<i32>} : memref<31744xf32, #tpu.memory_space<vmem>>, vector<16xf32>,
      %get3A_523 = vector.shape_cast %get3A_522 : vector<16xf32> to vector<16xf32>
      %max3A_524 = arith.maximumf %scan3A_499, %get3A_523 : vector<16xf32>
      %add3A_525 = arith.constant 16 : i32
      %add3A_526 = arith.addi %add3A_518, %add3A_525 : i32
      %get3A_527 = arith.index_cast %add3A_526 : i32 to index
      %get3A_528 = tpu.vector_load %arg8[%get3A_527] {strides = array<i32>} : memref<31744xf32, #tpu.memory_space<vmem>>, vector<16xf32>,
      %get3A_529 = vector.shape_cast %get3A_528 : vector<16xf32> to vector<16xf32>
      %max3A_530 = arith.maximumf %scan3A_500, %get3A_529 : vector<16xf32>
      %add3A_531 = arith.constant 32 : i32
      %add3A_532 = arith.addi %add3A_518, %add3A_531 : i32
      %get3A_533 = arith.index_cast %add3A_532 : i32 to index
      %get3A_534 = tpu.vector_load %arg8[%get3A_533] {strides = array<i32>} : memref<31744xf32, #tpu.memory_space<vmem>>, vector<16xf32>,
      %get3A_535 = vector.shape_cast %get3A_534 : vector<16xf32> to vector<16xf32>
      %max3A_536 = arith.maximumf %scan3A_501, %get3A_535 : vector<16xf32>
      %add3A_537 = arith.constant 48 : i32
      %add3A_538 = arith.addi %add3A_518, %add3A_537 : i32
      %get3A_539 = arith.index_cast %add3A_538 : i32 to index
      %get3A_540 = tpu.vector_load %arg8[%get3A_539] {strides = array<i32>} : memref<31744xf32, #tpu.memory_space<vmem>>, vector<16xf32>,
      %get3A_541 = vector.shape_cast %get3A_540 : vector<16xf32> to vector<16xf32>
      %max3A_542 = arith.maximumf %scan3A_502, %get3A_541 : vector<16xf32>
      %add3A_543 = arith.constant 64 : i32
      %add3A_544 = arith.addi %add3A_518, %add3A_543 : i32
      %get3A_545 = arith.index_cast %add3A_544 : i32 to index
      %get3A_546 = tpu.vector_load %arg8[%get3A_545] {strides = array<i32>} : memref<31744xf32, #tpu.memory_space<vmem>>, vector<16xf32>,
      %get3A_547 = vector.shape_cast %get3A_546 : vector<16xf32> to vector<16xf32>
      %max3A_548 = arith.maximumf %scan3A_503, %get3A_547 : vector<16xf32>
      %add3A_549 = arith.constant 80 : i32
      %add3A_550 = arith.addi %add3A_518, %add3A_549 : i32
      %get3A_551 = arith.index_cast %add3A_550 : i32 to index
      %get3A_552 = tpu.vector_load %arg8[%get3A_551] {strides = array<i32>} : memref<31744xf32, #tpu.memory_space<vmem>>, vector<16xf32>,
      %get3A_553 = vector.shape_cast %get3A_552 : vector<16xf32> to vector<16xf32>
      %max3A_554 = arith.maximumf %scan3A_504, %get3A_553 : vector<16xf32>
      %add3A_555 = arith.constant 96 : i32
      %add3A_556 = arith.addi %add3A_518, %add3A_555 : i32
      %get3A_557 = arith.index_cast %add3A_556 : i32 to index
      %get3A_558 = tpu.vector_load %arg8[%get3A_557] {strides = array<i32>} : memref<31744xf32, #tpu.memory_space<vmem>>, vector<16xf32>,
      %get3A_559 = vector.shape_cast %get3A_558 : vector<16xf32> to vector<16xf32>
      %max3A_560 = arith.maximumf %scan3A_505, %get3A_559 : vector<16xf32>
      %add3A_561 = arith.constant 112 : i32
      %add3A_562 = arith.addi %add3A_518, %add3A_561 : i32
      %get3A_563 = arith.index_cast %add3A_562 : i32 to index
      %get3A_564 = tpu.vector_load %arg8[%get3A_563] {strides = array<i32>} : memref<31744xf32, #tpu.memory_space<vmem>>, vector<16xf32>,
      %get3A_565 = vector.shape_cast %get3A_564 : vector<16xf32> to vector<16xf32>
      %max3A_566 = arith.maximumf %scan3A_506, %get3A_565 : vector<16xf32>
      %add3A_567 = arith.constant 128 : i32
      %add3A_568 = arith.addi %add3A_518, %add3A_567 : i32
      %get3A_569 = arith.index_cast %add3A_568 : i32 to index
      %get3A_570 = tpu.vector_load %arg8[%get3A_569] {strides = array<i32>} : memref<31744xf32, #tpu.memory_space<vmem>>, vector<16xf32>,
      %get3A_571 = vector.shape_cast %get3A_570 : vector<16xf32> to vector<16xf32>
      %max3A_572 = arith.maximumf %scan3A_507, %get3A_571 : vector<16xf32>
      %add3A_573 = arith.constant 144 : i32
      %add3A_574 = arith.addi %add3A_518, %add3A_573 : i32
      %get3A_575 = arith.index_cast %add3A_574 : i32 to index
      %get3A_576 = tpu.vector_load %arg8[%get3A_575] {strides = array<i32>} : memref<31744xf32, #tpu.memory_space<vmem>>, vector<16xf32>,
      %get3A_577 = vector.shape_cast %get3A_576 : vector<16xf32> to vector<16xf32>
      %max3A_578 = arith.maximumf %scan3A_508, %get3A_577 : vector<16xf32>
      %add3A_579 = arith.constant 160 : i32
      %add3A_580 = arith.addi %add3A_518, %add3A_579 : i32
      %get3A_581 = arith.index_cast %add3A_580 : i32 to index
      %get3A_582 = tpu.vector_load %arg8[%get3A_581] {strides = array<i32>} : memref<31744xf32, #tpu.memory_space<vmem>>, vector<16xf32>,
      %get3A_583 = vector.shape_cast %get3A_582 : vector<16xf32> to vector<16xf32>
      %max3A_584 = arith.maximumf %scan3A_509, %get3A_583 : vector<16xf32>
      %add3A_585 = arith.constant 176 : i32
      %add3A_586 = arith.addi %add3A_518, %add3A_585 : i32
      %get3A_587 = arith.index_cast %add3A_586 : i32 to index
      %get3A_588 = tpu.vector_load %arg8[%get3A_587] {strides = array<i32>} : memref<31744xf32, #tpu.memory_space<vmem>>, vector<16xf32>,
      %get3A_589 = vector.shape_cast %get3A_588 : vector<16xf32> to vector<16xf32>
      %max3A_590 = arith.maximumf %scan3A_510, %get3A_589 : vector<16xf32>
      %add3A_591 = arith.constant 192 : i32
      %add3A_592 = arith.addi %add3A_518, %add3A_591 : i32
      %get3A_593 = arith.index_cast %add3A_592 : i32 to index
      %get3A_594 = tpu.vector_load %arg8[%get3A_593] {strides = array<i32>} : memref<31744xf32, #tpu.memory_space<vmem>>, vector<16xf32>,
      %get3A_595 = vector.shape_cast %get3A_594 : vector<16xf32> to vector<16xf32>
      %max3A_596 = arith.maximumf %scan3A_511, %get3A_595 : vector<16xf32>
      %add3A_597 = arith.constant 208 : i32
      %add3A_598 = arith.addi %add3A_518, %add3A_597 : i32
      %get3A_599 = arith.index_cast %add3A_598 : i32 to index
      %get3A_600 = tpu.vector_load %arg8[%get3A_599] {strides = array<i32>} : memref<31744xf32, #tpu.memory_space<vmem>>, vector<16xf32>,
      %get3A_601 = vector.shape_cast %get3A_600 : vector<16xf32> to vector<16xf32>
      %max3A_602 = arith.maximumf %scan3A_512, %get3A_601 : vector<16xf32>
      %add3A_603 = arith.constant 224 : i32
      %add3A_604 = arith.addi %add3A_518, %add3A_603 : i32
      %get3A_605 = arith.index_cast %add3A_604 : i32 to index
      %get3A_606 = tpu.vector_load %arg8[%get3A_605] {strides = array<i32>} : memref<31744xf32, #tpu.memory_space<vmem>>, vector<16xf32>,
      %get3A_607 = vector.shape_cast %get3A_606 : vector<16xf32> to vector<16xf32>
      %max3A_608 = arith.maximumf %scan3A_513, %get3A_607 : vector<16xf32>
      %add3A_609 = arith.constant 240 : i32
      %add3A_610 = arith.addi %add3A_518, %add3A_609 : i32
      %get3A_611 = arith.index_cast %add3A_610 : i32 to index
      %get3A_612 = tpu.vector_load %arg8[%get3A_611] {strides = array<i32>} : memref<31744xf32, #tpu.memory_space<vmem>>, vector<16xf32>,
      %get3A_613 = vector.shape_cast %get3A_612 : vector<16xf32> to vector<16xf32>
      %max3A_614 = arith.maximumf %scan3A_514, %get3A_613 : vector<16xf32>
      scf.yield %max3A_524, %max3A_530, %max3A_536, %max3A_542, %max3A_548, %max3A_554, %max3A_560, %max3A_566, %max3A_572, %max3A_578, %max3A_584, %max3A_590, %max3A_596, %max3A_602, %max3A_608, %max3A_614 : vector<16xf32>, vector<16xf32>, vector<16xf32>, vector<16xf32>, vector<16xf32>, vector<16xf32>, vector<16xf32>, vector<16xf32>, vector<16xf32>, vector<16xf32>, vector<16xf32>, vector<16xf32>, vector<16xf32>, vector<16xf32>, vector<16xf32>, vector<16xf32>
    }
    %scan3A_168 = arith.constant 31 : i32
    %dma_wait3A_169 = arith.constant 0 : i32
    %dma_wait3A_170 = arith.constant 7936 : i32
    %dma_wait3A_171 = tpu.memref_slice %arg8[%dma_wait3A_170] : memref<31744xf32, #tpu.memory_space<vmem>> -> memref<7936xf32, #tpu.memory_space<vmem>>
    %dma_wait3A_172 = arith.constant 0 : i32
    %dma_wait3A_173 = tpu.memref_slice %arg3[%dma_wait3A_169, %dma_wait3A_172] : memref<1x1000000xf32, #tpu.memory_space<hbm>> -> memref<1x1000000xf32, #tpu.memory_space<hbm>>
    %dma_wait3A_174 = tpu.memref_squeeze %dma_wait3A_173 : memref<1x1000000xf32, #tpu.memory_space<hbm>> -> memref<1000000xf32, #tpu.memory_space<hbm>>
    %dma_wait3A_175 = tpu.memref_slice %dma_wait3A_174[%add3A_19] : memref<1000000xf32, #tpu.memory_space<hbm>> -> memref<7936xf32, #tpu.memory_space<hbm>>
    %dma_wait3A_176 = arith.constant 7936 : i32
    %dma_wait3A_177 = tpu.memref_slice %arg8[%dma_wait3A_176] : memref<31744xf32, #tpu.memory_space<vmem>> -> memref<7936xf32, #tpu.memory_space<vmem>>
    %dma_wait3A_178 = arith.constant 0 : i32
    %dma_wait3A_179 = tpu.memref_slice %arg3[%dma_wait3A_169, %dma_wait3A_178] : memref<1x1000000xf32, #tpu.memory_space<hbm>> -> memref<1x1000000xf32, #tpu.memory_space<hbm>>
    %dma_wait3A_180 = tpu.memref_squeeze %dma_wait3A_179 : memref<1x1000000xf32, #tpu.memory_space<hbm>> -> memref<1000000xf32, #tpu.memory_space<hbm>>
    %dma_wait3A_181 = tpu.memref_slice %dma_wait3A_180[%add3A_19] : memref<1000000xf32, #tpu.memory_space<hbm>> -> memref<7936xf32, #tpu.memory_space<hbm>>
    tpu.wait_dma2 semaphore(%arg11 : memref<!tpu.dma_semaphore, #tpu.memory_space<semaphore_mem>>) src(%dma_wait3A_181 : memref<7936xf32, #tpu.memory_space<hbm>>) dst(%dma_wait3A_177 : memref<7936xf32, #tpu.memory_space<vmem>>)
    %scan3A_182 = arith.constant 0 : i32
    %scan3A_183 = arith.constant 31 : i32
    %scan3A_184 = arith.addi %scan3A_182, %scan3A_183 : i32
    %scan3A_185 = arith.constant 1 : i32
    %scan3A_186:16 = scf.for %scan3A_498 = %scan3A_182 to %scan3A_184 step %scan3A_185 iter_args(%scan3A_499 = %scan3A_167#0, %scan3A_500 = %scan3A_167#1, %scan3A_501 = %scan3A_167#2, %scan3A_502 = %scan3A_167#3, %scan3A_503 = %scan3A_167#4, %scan3A_504 = %scan3A_167#5, %scan3A_505 = %scan3A_167#6, %scan3A_506 = %scan3A_167#7, %scan3A_507 = %scan3A_167#8, %scan3A_508 = %scan3A_167#9, %scan3A_509 = %scan3A_167#10, %scan3A_510 = %scan3A_167#11, %scan3A_511 = %scan3A_167#12, %scan3A_512 = %scan3A_167#13, %scan3A_513 = %scan3A_167#14, %scan3A_514 = %scan3A_167#15) -> (vector<16xf32>, vector<16xf32>, vector<16xf32>, vector<16xf32>, vector<16xf32>, vector<16xf32>, vector<16xf32>, vector<16xf32>, vector<16xf32>, vector<16xf32>, vector<16xf32>, vector<16xf32>, vector<16xf32>, vector<16xf32>, vector<16xf32>, vector<16xf32>)  : i32 {
      %mul3A_515 = arith.constant 256 : i32
      %mul3A_516 = arith.muli %scan3A_498, %mul3A_515 : i32
      %add3A_517 = arith.constant 7936 : i32
      %add3A_518 = arith.addi %add3A_517, %mul3A_516 : i32
      %add3A_519 = arith.constant 0 : i32
      %add3A_520 = arith.addi %add3A_518, %add3A_519 : i32
      %get3A_521 = arith.index_cast %add3A_520 : i32 to index
      %get3A_522 = tpu.vector_load %arg8[%get3A_521] {strides = array<i32>} : memref<31744xf32, #tpu.memory_space<vmem>>, vector<16xf32>,
      %get3A_523 = vector.shape_cast %get3A_522 : vector<16xf32> to vector<16xf32>
      %max3A_524 = arith.maximumf %scan3A_499, %get3A_523 : vector<16xf32>
      %add3A_525 = arith.constant 16 : i32
      %add3A_526 = arith.addi %add3A_518, %add3A_525 : i32
      %get3A_527 = arith.index_cast %add3A_526 : i32 to index
      %get3A_528 = tpu.vector_load %arg8[%get3A_527] {strides = array<i32>} : memref<31744xf32, #tpu.memory_space<vmem>>, vector<16xf32>,
      %get3A_529 = vector.shape_cast %get3A_528 : vector<16xf32> to vector<16xf32>
      %max3A_530 = arith.maximumf %scan3A_500, %get3A_529 : vector<16xf32>
      %add3A_531 = arith.constant 32 : i32
      %add3A_532 = arith.addi %add3A_518, %add3A_531 : i32
      %get3A_533 = arith.index_cast %add3A_532 : i32 to index
      %get3A_534 = tpu.vector_load %arg8[%get3A_533] {strides = array<i32>} : memref<31744xf32, #tpu.memory_space<vmem>>, vector<16xf32>,
      %get3A_535 = vector.shape_cast %get3A_534 : vector<16xf32> to vector<16xf32>
      %max3A_536 = arith.maximumf %scan3A_501, %get3A_535 : vector<16xf32>
      %add3A_537 = arith.constant 48 : i32
      %add3A_538 = arith.addi %add3A_518, %add3A_537 : i32
      %get3A_539 = arith.index_cast %add3A_538 : i32 to index
      %get3A_540 = tpu.vector_load %arg8[%get3A_539] {strides = array<i32>} : memref<31744xf32, #tpu.memory_space<vmem>>, vector<16xf32>,
      %get3A_541 = vector.shape_cast %get3A_540 : vector<16xf32> to vector<16xf32>
      %max3A_542 = arith.maximumf %scan3A_502, %get3A_541 : vector<16xf32>
      %add3A_543 = arith.constant 64 : i32
      %add3A_544 = arith.addi %add3A_518, %add3A_543 : i32
      %get3A_545 = arith.index_cast %add3A_544 : i32 to index
      %get3A_546 = tpu.vector_load %arg8[%get3A_545] {strides = array<i32>} : memref<31744xf32, #tpu.memory_space<vmem>>, vector<16xf32>,
      %get3A_547 = vector.shape_cast %get3A_546 : vector<16xf32> to vector<16xf32>
      %max3A_548 = arith.maximumf %scan3A_503, %get3A_547 : vector<16xf32>
      %add3A_549 = arith.constant 80 : i32
      %add3A_550 = arith.addi %add3A_518, %add3A_549 : i32
      %get3A_551 = arith.index_cast %add3A_550 : i32 to index
      %get3A_552 = tpu.vector_load %arg8[%get3A_551] {strides = array<i32>} : memref<31744xf32, #tpu.memory_space<vmem>>, vector<16xf32>,
      %get3A_553 = vector.shape_cast %get3A_552 : vector<16xf32> to vector<16xf32>
      %max3A_554 = arith.maximumf %scan3A_504, %get3A_553 : vector<16xf32>
      %add3A_555 = arith.constant 96 : i32
      %add3A_556 = arith.addi %add3A_518, %add3A_555 : i32
      %get3A_557 = arith.index_cast %add3A_556 : i32 to index
      %get3A_558 = tpu.vector_load %arg8[%get3A_557] {strides = array<i32>} : memref<31744xf32, #tpu.memory_space<vmem>>, vector<16xf32>,
      %get3A_559 = vector.shape_cast %get3A_558 : vector<16xf32> to vector<16xf32>
      %max3A_560 = arith.maximumf %scan3A_505, %get3A_559 : vector<16xf32>
      %add3A_561 = arith.constant 112 : i32
      %add3A_562 = arith.addi %add3A_518, %add3A_561 : i32
      %get3A_563 = arith.index_cast %add3A_562 : i32 to index
      %get3A_564 = tpu.vector_load %arg8[%get3A_563] {strides = array<i32>} : memref<31744xf32, #tpu.memory_space<vmem>>, vector<16xf32>,
      %get3A_565 = vector.shape_cast %get3A_564 : vector<16xf32> to vector<16xf32>
      %max3A_566 = arith.maximumf %scan3A_506, %get3A_565 : vector<16xf32>
      %add3A_567 = arith.constant 128 : i32
      %add3A_568 = arith.addi %add3A_518, %add3A_567 : i32
      %get3A_569 = arith.index_cast %add3A_568 : i32 to index
      %get3A_570 = tpu.vector_load %arg8[%get3A_569] {strides = array<i32>} : memref<31744xf32, #tpu.memory_space<vmem>>, vector<16xf32>,
      %get3A_571 = vector.shape_cast %get3A_570 : vector<16xf32> to vector<16xf32>
      %max3A_572 = arith.maximumf %scan3A_507, %get3A_571 : vector<16xf32>
      %add3A_573 = arith.constant 144 : i32
      %add3A_574 = arith.addi %add3A_518, %add3A_573 : i32
      %get3A_575 = arith.index_cast %add3A_574 : i32 to index
      %get3A_576 = tpu.vector_load %arg8[%get3A_575] {strides = array<i32>} : memref<31744xf32, #tpu.memory_space<vmem>>, vector<16xf32>,
      %get3A_577 = vector.shape_cast %get3A_576 : vector<16xf32> to vector<16xf32>
      %max3A_578 = arith.maximumf %scan3A_508, %get3A_577 : vector<16xf32>
      %add3A_579 = arith.constant 160 : i32
      %add3A_580 = arith.addi %add3A_518, %add3A_579 : i32
      %get3A_581 = arith.index_cast %add3A_580 : i32 to index
      %get3A_582 = tpu.vector_load %arg8[%get3A_581] {strides = array<i32>} : memref<31744xf32, #tpu.memory_space<vmem>>, vector<16xf32>,
      %get3A_583 = vector.shape_cast %get3A_582 : vector<16xf32> to vector<16xf32>
      %max3A_584 = arith.maximumf %scan3A_509, %get3A_583 : vector<16xf32>
      %add3A_585 = arith.constant 176 : i32
      %add3A_586 = arith.addi %add3A_518, %add3A_585 : i32
      %get3A_587 = arith.index_cast %add3A_586 : i32 to index
      %get3A_588 = tpu.vector_load %arg8[%get3A_587] {strides = array<i32>} : memref<31744xf32, #tpu.memory_space<vmem>>, vector<16xf32>,
      %get3A_589 = vector.shape_cast %get3A_588 : vector<16xf32> to vector<16xf32>
      %max3A_590 = arith.maximumf %scan3A_510, %get3A_589 : vector<16xf32>
      %add3A_591 = arith.constant 192 : i32
      %add3A_592 = arith.addi %add3A_518, %add3A_591 : i32
      %get3A_593 = arith.index_cast %add3A_592 : i32 to index
      %get3A_594 = tpu.vector_load %arg8[%get3A_593] {strides = array<i32>} : memref<31744xf32, #tpu.memory_space<vmem>>, vector<16xf32>,
      %get3A_595 = vector.shape_cast %get3A_594 : vector<16xf32> to vector<16xf32>
      %max3A_596 = arith.maximumf %scan3A_511, %get3A_595 : vector<16xf32>
      %add3A_597 = arith.constant 208 : i32
      %add3A_598 = arith.addi %add3A_518, %add3A_597 : i32
      %get3A_599 = arith.index_cast %add3A_598 : i32 to index
      %get3A_600 = tpu.vector_load %arg8[%get3A_599] {strides = array<i32>} : memref<31744xf32, #tpu.memory_space<vmem>>, vector<16xf32>,
      %get3A_601 = vector.shape_cast %get3A_600 : vector<16xf32> to vector<16xf32>
      %max3A_602 = arith.maximumf %scan3A_512, %get3A_601 : vector<16xf32>
      %add3A_603 = arith.constant 224 : i32
      %add3A_604 = arith.addi %add3A_518, %add3A_603 : i32
      %get3A_605 = arith.index_cast %add3A_604 : i32 to index
      %get3A_606 = tpu.vector_load %arg8[%get3A_605] {strides = array<i32>} : memref<31744xf32, #tpu.memory_space<vmem>>, vector<16xf32>,
      %get3A_607 = vector.shape_cast %get3A_606 : vector<16xf32> to vector<16xf32>
      %max3A_608 = arith.maximumf %scan3A_513, %get3A_607 : vector<16xf32>
      %add3A_609 = arith.constant 240 : i32
      %add3A_610 = arith.addi %add3A_518, %add3A_609 : i32
      %get3A_611 = arith.index_cast %add3A_610 : i32 to index
      %get3A_612 = tpu.vector_load %arg8[%get3A_611] {strides = array<i32>} : memref<31744xf32, #tpu.memory_space<vmem>>, vector<16xf32>,
      %get3A_613 = vector.shape_cast %get3A_612 : vector<16xf32> to vector<16xf32>
      %max3A_614 = arith.maximumf %scan3A_514, %get3A_613 : vector<16xf32>
      scf.yield %max3A_524, %max3A_530, %max3A_536, %max3A_542, %max3A_548, %max3A_554, %max3A_560, %max3A_566, %max3A_572, %max3A_578, %max3A_584, %max3A_590, %max3A_596, %max3A_602, %max3A_608, %max3A_614 : vector<16xf32>, vector<16xf32>, vector<16xf32>, vector<16xf32>, vector<16xf32>, vector<16xf32>, vector<16xf32>, vector<16xf32>, vector<16xf32>, vector<16xf32>, vector<16xf32>, vector<16xf32>, vector<16xf32>, vector<16xf32>, vector<16xf32>, vector<16xf32>
    }
    %scan3A_187 = arith.constant 31 : i32
    %dma_wait3A_188 = arith.constant 0 : i32
    %dma_wait3A_189 = arith.constant 15872 : i32
    %dma_wait3A_190 = tpu.memref_slice %arg8[%dma_wait3A_189] : memref<31744xf32, #tpu.memory_space<vmem>> -> memref<7936xf32, #tpu.memory_space<vmem>>
    %dma_wait3A_191 = arith.constant 0 : i32
    %dma_wait3A_192 = tpu.memref_slice %arg3[%dma_wait3A_188, %dma_wait3A_191] : memref<1x1000000xf32, #tpu.memory_space<hbm>> -> memref<1x1000000xf32, #tpu.memory_space<hbm>>
    %dma_wait3A_193 = tpu.memref_squeeze %dma_wait3A_192 : memref<1x1000000xf32, #tpu.memory_space<hbm>> -> memref<1000000xf32, #tpu.memory_space<hbm>>
    %dma_wait3A_194 = tpu.memref_slice %dma_wait3A_193[%add3A_34] : memref<1000000xf32, #tpu.memory_space<hbm>> -> memref<7936xf32, #tpu.memory_space<hbm>>
    %dma_wait3A_195 = arith.constant 15872 : i32
    %dma_wait3A_196 = tpu.memref_slice %arg8[%dma_wait3A_195] : memref<31744xf32, #tpu.memory_space<vmem>> -> memref<7936xf32, #tpu.memory_space<vmem>>
    %dma_wait3A_197 = arith.constant 0 : i32
    %dma_wait3A_198 = tpu.memref_slice %arg3[%dma_wait3A_188, %dma_wait3A_197] : memref<1x1000000xf32, #tpu.memory_space<hbm>> -> memref<1x1000000xf32, #tpu.memory_space<hbm>>
    %dma_wait3A_199 = tpu.memref_squeeze %dma_wait3A_198 : memref<1x1000000xf32, #tpu.memory_space<hbm>> -> memref<1000000xf32, #tpu.memory_space<hbm>>
    %dma_wait3A_200 = tpu.memref_slice %dma_wait3A_199[%add3A_34] : memref<1000000xf32, #tpu.memory_space<hbm>> -> memref<7936xf32, #tpu.memory_space<hbm>>
    tpu.wait_dma2 semaphore(%arg11 : memref<!tpu.dma_semaphore, #tpu.memory_space<semaphore_mem>>) src(%dma_wait3A_200 : memref<7936xf32, #tpu.memory_space<hbm>>) dst(%dma_wait3A_196 : memref<7936xf32, #tpu.memory_space<vmem>>)
    %scan3A_201 = arith.constant 0 : i32
    %scan3A_202 = arith.constant 31 : i32
    %scan3A_203 = arith.addi %scan3A_201, %scan3A_202 : i32
    %scan3A_204 = arith.constant 1 : i32
    %scan3A_205:16 = scf.for %scan3A_498 = %scan3A_201 to %scan3A_203 step %scan3A_204 iter_args(%scan3A_499 = %scan3A_186#0, %scan3A_500 = %scan3A_186#1, %scan3A_501 = %scan3A_186#2, %scan3A_502 = %scan3A_186#3, %scan3A_503 = %scan3A_186#4, %scan3A_504 = %scan3A_186#5, %scan3A_505 = %scan3A_186#6, %scan3A_506 = %scan3A_186#7, %scan3A_507 = %scan3A_186#8, %scan3A_508 = %scan3A_186#9, %scan3A_509 = %scan3A_186#10, %scan3A_510 = %scan3A_186#11, %scan3A_511 = %scan3A_186#12, %scan3A_512 = %scan3A_186#13, %scan3A_513 = %scan3A_186#14, %scan3A_514 = %scan3A_186#15) -> (vector<16xf32>, vector<16xf32>, vector<16xf32>, vector<16xf32>, vector<16xf32>, vector<16xf32>, vector<16xf32>, vector<16xf32>, vector<16xf32>, vector<16xf32>, vector<16xf32>, vector<16xf32>, vector<16xf32>, vector<16xf32>, vector<16xf32>, vector<16xf32>)  : i32 {
      %mul3A_515 = arith.constant 256 : i32
      %mul3A_516 = arith.muli %scan3A_498, %mul3A_515 : i32
      %add3A_517 = arith.constant 15872 : i32
      %add3A_518 = arith.addi %add3A_517, %mul3A_516 : i32
      %add3A_519 = arith.constant 0 : i32
      %add3A_520 = arith.addi %add3A_518, %add3A_519 : i32
      %get3A_521 = arith.index_cast %add3A_520 : i32 to index
      %get3A_522 = tpu.vector_load %arg8[%get3A_521] {strides = array<i32>} : memref<31744xf32, #tpu.memory_space<vmem>>, vector<16xf32>,
      %get3A_523 = vector.shape_cast %get3A_522 : vector<16xf32> to vector<16xf32>
      %max3A_524 = arith.maximumf %scan3A_499, %get3A_523 : vector<16xf32>
      %add3A_525 = arith.constant 16 : i32
      %add3A_526 = arith.addi %add3A_518, %add3A_525 : i32
      %get3A_527 = arith.index_cast %add3A_526 : i32 to index
      %get3A_528 = tpu.vector_load %arg8[%get3A_527] {strides = array<i32>} : memref<31744xf32, #tpu.memory_space<vmem>>, vector<16xf32>,
      %get3A_529 = vector.shape_cast %get3A_528 : vector<16xf32> to vector<16xf32>
      %max3A_530 = arith.maximumf %scan3A_500, %get3A_529 : vector<16xf32>
      %add3A_531 = arith.constant 32 : i32
      %add3A_532 = arith.addi %add3A_518, %add3A_531 : i32
      %get3A_533 = arith.index_cast %add3A_532 : i32 to index
      %get3A_534 = tpu.vector_load %arg8[%get3A_533] {strides = array<i32>} : memref<31744xf32, #tpu.memory_space<vmem>>, vector<16xf32>,
      %get3A_535 = vector.shape_cast %get3A_534 : vector<16xf32> to vector<16xf32>
      %max3A_536 = arith.maximumf %scan3A_501, %get3A_535 : vector<16xf32>
      %add3A_537 = arith.constant 48 : i32
      %add3A_538 = arith.addi %add3A_518, %add3A_537 : i32
      %get3A_539 = arith.index_cast %add3A_538 : i32 to index
      %get3A_540 = tpu.vector_load %arg8[%get3A_539] {strides = array<i32>} : memref<31744xf32, #tpu.memory_space<vmem>>, vector<16xf32>,
      %get3A_541 = vector.shape_cast %get3A_540 : vector<16xf32> to vector<16xf32>
      %max3A_542 = arith.maximumf %scan3A_502, %get3A_541 : vector<16xf32>
      %add3A_543 = arith.constant 64 : i32
      %add3A_544 = arith.addi %add3A_518, %add3A_543 : i32
      %get3A_545 = arith.index_cast %add3A_544 : i32 to index
      %get3A_546 = tpu.vector_load %arg8[%get3A_545] {strides = array<i32>} : memref<31744xf32, #tpu.memory_space<vmem>>, vector<16xf32>,
      %get3A_547 = vector.shape_cast %get3A_546 : vector<16xf32> to vector<16xf32>
      %max3A_548 = arith.maximumf %scan3A_503, %get3A_547 : vector<16xf32>
      %add3A_549 = arith.constant 80 : i32
      %add3A_550 = arith.addi %add3A_518, %add3A_549 : i32
      %get3A_551 = arith.index_cast %add3A_550 : i32 to index
      %get3A_552 = tpu.vector_load %arg8[%get3A_551] {strides = array<i32>} : memref<31744xf32, #tpu.memory_space<vmem>>, vector<16xf32>,
      %get3A_553 = vector.shape_cast %get3A_552 : vector<16xf32> to vector<16xf32>
      %max3A_554 = arith.maximumf %scan3A_504, %get3A_553 : vector<16xf32>
      %add3A_555 = arith.constant 96 : i32
      %add3A_556 = arith.addi %add3A_518, %add3A_555 : i32
      %get3A_557 = arith.index_cast %add3A_556 : i32 to index
      %get3A_558 = tpu.vector_load %arg8[%get3A_557] {strides = array<i32>} : memref<31744xf32, #tpu.memory_space<vmem>>, vector<16xf32>,
      %get3A_559 = vector.shape_cast %get3A_558 : vector<16xf32> to vector<16xf32>
      %max3A_560 = arith.maximumf %scan3A_505, %get3A_559 : vector<16xf32>
      %add3A_561 = arith.constant 112 : i32
      %add3A_562 = arith.addi %add3A_518, %add3A_561 : i32
      %get3A_563 = arith.index_cast %add3A_562 : i32 to index
      %get3A_564 = tpu.vector_load %arg8[%get3A_563] {strides = array<i32>} : memref<31744xf32, #tpu.memory_space<vmem>>, vector<16xf32>,
      %get3A_565 = vector.shape_cast %get3A_564 : vector<16xf32> to vector<16xf32>
      %max3A_566 = arith.maximumf %scan3A_506, %get3A_565 : vector<16xf32>
      %add3A_567 = arith.constant 128 : i32
      %add3A_568 = arith.addi %add3A_518, %add3A_567 : i32
      %get3A_569 = arith.index_cast %add3A_568 : i32 to index
      %get3A_570 = tpu.vector_load %arg8[%get3A_569] {strides = array<i32>} : memref<31744xf32, #tpu.memory_space<vmem>>, vector<16xf32>,
      %get3A_571 = vector.shape_cast %get3A_570 : vector<16xf32> to vector<16xf32>
      %max3A_572 = arith.maximumf %scan3A_507, %get3A_571 : vector<16xf32>
      %add3A_573 = arith.constant 144 : i32
      %add3A_574 = arith.addi %add3A_518, %add3A_573 : i32
      %get3A_575 = arith.index_cast %add3A_574 : i32 to index
      %get3A_576 = tpu.vector_load %arg8[%get3A_575] {strides = array<i32>} : memref<31744xf32, #tpu.memory_space<vmem>>, vector<16xf32>,
      %get3A_577 = vector.shape_cast %get3A_576 : vector<16xf32> to vector<16xf32>
      %max3A_578 = arith.maximumf %scan3A_508, %get3A_577 : vector<16xf32>
      %add3A_579 = arith.constant 160 : i32
      %add3A_580 = arith.addi %add3A_518, %add3A_579 : i32
      %get3A_581 = arith.index_cast %add3A_580 : i32 to index
      %get3A_582 = tpu.vector_load %arg8[%get3A_581] {strides = array<i32>} : memref<31744xf32, #tpu.memory_space<vmem>>, vector<16xf32>,
      %get3A_583 = vector.shape_cast %get3A_582 : vector<16xf32> to vector<16xf32>
      %max3A_584 = arith.maximumf %scan3A_509, %get3A_583 : vector<16xf32>
      %add3A_585 = arith.constant 176 : i32
      %add3A_586 = arith.addi %add3A_518, %add3A_585 : i32
      %get3A_587 = arith.index_cast %add3A_586 : i32 to index
      %get3A_588 = tpu.vector_load %arg8[%get3A_587] {strides = array<i32>} : memref<31744xf32, #tpu.memory_space<vmem>>, vector<16xf32>,
      %get3A_589 = vector.shape_cast %get3A_588 : vector<16xf32> to vector<16xf32>
      %max3A_590 = arith.maximumf %scan3A_510, %get3A_589 : vector<16xf32>
      %add3A_591 = arith.constant 192 : i32
      %add3A_592 = arith.addi %add3A_518, %add3A_591 : i32
      %get3A_593 = arith.index_cast %add3A_592 : i32 to index
      %get3A_594 = tpu.vector_load %arg8[%get3A_593] {strides = array<i32>} : memref<31744xf32, #tpu.memory_space<vmem>>, vector<16xf32>,
      %get3A_595 = vector.shape_cast %get3A_594 : vector<16xf32> to vector<16xf32>
      %max3A_596 = arith.maximumf %scan3A_511, %get3A_595 : vector<16xf32>
      %add3A_597 = arith.constant 208 : i32
      %add3A_598 = arith.addi %add3A_518, %add3A_597 : i32
      %get3A_599 = arith.index_cast %add3A_598 : i32 to index
      %get3A_600 = tpu.vector_load %arg8[%get3A_599] {strides = array<i32>} : memref<31744xf32, #tpu.memory_space<vmem>>, vector<16xf32>,
      %get3A_601 = vector.shape_cast %get3A_600 : vector<16xf32> to vector<16xf32>
      %max3A_602 = arith.maximumf %scan3A_512, %get3A_601 : vector<16xf32>
      %add3A_603 = arith.constant 224 : i32
      %add3A_604 = arith.addi %add3A_518, %add3A_603 : i32
      %get3A_605 = arith.index_cast %add3A_604 : i32 to index
      %get3A_606 = tpu.vector_load %arg8[%get3A_605] {strides = array<i32>} : memref<31744xf32, #tpu.memory_space<vmem>>, vector<16xf32>,
      %get3A_607 = vector.shape_cast %get3A_606 : vector<16xf32> to vector<16xf32>
      %max3A_608 = arith.maximumf %scan3A_513, %get3A_607 : vector<16xf32>
      %add3A_609 = arith.constant 240 : i32
      %add3A_610 = arith.addi %add3A_518, %add3A_609 : i32
      %get3A_611 = arith.index_cast %add3A_610 : i32 to index
      %get3A_612 = tpu.vector_load %arg8[%get3A_611] {strides = array<i32>} : memref<31744xf32, #tpu.memory_space<vmem>>, vector<16xf32>,
      %get3A_613 = vector.shape_cast %get3A_612 : vector<16xf32> to vector<16xf32>
      %max3A_614 = arith.maximumf %scan3A_514, %get3A_613 : vector<16xf32>
      scf.yield %max3A_524, %max3A_530, %max3A_536, %max3A_542, %max3A_548, %max3A_554, %max3A_560, %max3A_566, %max3A_572, %max3A_578, %max3A_584, %max3A_590, %max3A_596, %max3A_602, %max3A_608, %max3A_614 : vector<16xf32>, vector<16xf32>, vector<16xf32>, vector<16xf32>, vector<16xf32>, vector<16xf32>, vector<16xf32>, vector<16xf32>, vector<16xf32>, vector<16xf32>, vector<16xf32>, vector<16xf32>, vector<16xf32>, vector<16xf32>, vector<16xf32>, vector<16xf32>
    }
    %scan3A_206 = arith.constant 31 : i32
    %dma_wait3A_207 = arith.constant 0 : i32
    %dma_wait3A_208 = arith.constant 23808 : i32
    %dma_wait3A_209 = tpu.memref_slice %arg8[%dma_wait3A_208] : memref<31744xf32, #tpu.memory_space<vmem>> -> memref<7936xf32, #tpu.memory_space<vmem>>
    %dma_wait3A_210 = arith.constant 0 : i32
    %dma_wait3A_211 = tpu.memref_slice %arg3[%dma_wait3A_207, %dma_wait3A_210] : memref<1x1000000xf32, #tpu.memory_space<hbm>> -> memref<1x1000000xf32, #tpu.memory_space<hbm>>
    %dma_wait3A_212 = tpu.memref_squeeze %dma_wait3A_211 : memref<1x1000000xf32, #tpu.memory_space<hbm>> -> memref<1000000xf32, #tpu.memory_space<hbm>>
    %dma_wait3A_213 = tpu.memref_slice %dma_wait3A_212[%add3A_49] : memref<1000000xf32, #tpu.memory_space<hbm>> -> memref<7936xf32, #tpu.memory_space<hbm>>
    %dma_wait3A_214 = arith.constant 23808 : i32
    %dma_wait3A_215 = tpu.memref_slice %arg8[%dma_wait3A_214] : memref<31744xf32, #tpu.memory_space<vmem>> -> memref<7936xf32, #tpu.memory_space<vmem>>
    %dma_wait3A_216 = arith.constant 0 : i32
    %dma_wait3A_217 = tpu.memref_slice %arg3[%dma_wait3A_207, %dma_wait3A_216] : memref<1x1000000xf32, #tpu.memory_space<hbm>> -> memref<1x1000000xf32, #tpu.memory_space<hbm>>
    %dma_wait3A_218 = tpu.memref_squeeze %dma_wait3A_217 : memref<1x1000000xf32, #tpu.memory_space<hbm>> -> memref<1000000xf32, #tpu.memory_space<hbm>>
    %dma_wait3A_219 = tpu.memref_slice %dma_wait3A_218[%add3A_49] : memref<1000000xf32, #tpu.memory_space<hbm>> -> memref<7936xf32, #tpu.memory_space<hbm>>
    tpu.wait_dma2 semaphore(%arg11 : memref<!tpu.dma_semaphore, #tpu.memory_space<semaphore_mem>>) src(%dma_wait3A_219 : memref<7936xf32, #tpu.memory_space<hbm>>) dst(%dma_wait3A_215 : memref<7936xf32, #tpu.memory_space<vmem>>)
    %scan3A_220 = arith.constant 0 : i32
    %scan3A_221 = arith.constant 31 : i32
    %scan3A_222 = arith.addi %scan3A_220, %scan3A_221 : i32
    %scan3A_223 = arith.constant 1 : i32
    %scan3A_224:16 = scf.for %scan3A_498 = %scan3A_220 to %scan3A_222 step %scan3A_223 iter_args(%scan3A_499 = %scan3A_205#0, %scan3A_500 = %scan3A_205#1, %scan3A_501 = %scan3A_205#2, %scan3A_502 = %scan3A_205#3, %scan3A_503 = %scan3A_205#4, %scan3A_504 = %scan3A_205#5, %scan3A_505 = %scan3A_205#6, %scan3A_506 = %scan3A_205#7, %scan3A_507 = %scan3A_205#8, %scan3A_508 = %scan3A_205#9, %scan3A_509 = %scan3A_205#10, %scan3A_510 = %scan3A_205#11, %scan3A_511 = %scan3A_205#12, %scan3A_512 = %scan3A_205#13, %scan3A_513 = %scan3A_205#14, %scan3A_514 = %scan3A_205#15) -> (vector<16xf32>, vector<16xf32>, vector<16xf32>, vector<16xf32>, vector<16xf32>, vector<16xf32>, vector<16xf32>, vector<16xf32>, vector<16xf32>, vector<16xf32>, vector<16xf32>, vector<16xf32>, vector<16xf32>, vector<16xf32>, vector<16xf32>, vector<16xf32>)  : i32 {
      %mul3A_515 = arith.constant 256 : i32
      %mul3A_516 = arith.muli %scan3A_498, %mul3A_515 : i32
      %add3A_517 = arith.constant 23808 : i32
      %add3A_518 = arith.addi %add3A_517, %mul3A_516 : i32
      %add3A_519 = arith.constant 0 : i32
      %add3A_520 = arith.addi %add3A_518, %add3A_519 : i32
      %get3A_521 = arith.index_cast %add3A_520 : i32 to index
      %get3A_522 = tpu.vector_load %arg8[%get3A_521] {strides = array<i32>} : memref<31744xf32, #tpu.memory_space<vmem>>, vector<16xf32>,
      %get3A_523 = vector.shape_cast %get3A_522 : vector<16xf32> to vector<16xf32>
      %max3A_524 = arith.maximumf %scan3A_499, %get3A_523 : vector<16xf32>
      %add3A_525 = arith.constant 16 : i32
      %add3A_526 = arith.addi %add3A_518, %add3A_525 : i32
      %get3A_527 = arith.index_cast %add3A_526 : i32 to index
      %get3A_528 = tpu.vector_load %arg8[%get3A_527] {strides = array<i32>} : memref<31744xf32, #tpu.memory_space<vmem>>, vector<16xf32>,
      %get3A_529 = vector.shape_cast %get3A_528 : vector<16xf32> to vector<16xf32>
      %max3A_530 = arith.maximumf %scan3A_500, %get3A_529 : vector<16xf32>
      %add3A_531 = arith.constant 32 : i32
      %add3A_532 = arith.addi %add3A_518, %add3A_531 : i32
      %get3A_533 = arith.index_cast %add3A_532 : i32 to index
      %get3A_534 = tpu.vector_load %arg8[%get3A_533] {strides = array<i32>} : memref<31744xf32, #tpu.memory_space<vmem>>, vector<16xf32>,
      %get3A_535 = vector.shape_cast %get3A_534 : vector<16xf32> to vector<16xf32>
      %max3A_536 = arith.maximumf %scan3A_501, %get3A_535 : vector<16xf32>
      %add3A_537 = arith.constant 48 : i32
      %add3A_538 = arith.addi %add3A_518, %add3A_537 : i32
      %get3A_539 = arith.index_cast %add3A_538 : i32 to index
      %get3A_540 = tpu.vector_load %arg8[%get3A_539] {strides = array<i32>} : memref<31744xf32, #tpu.memory_space<vmem>>, vector<16xf32>,
      %get3A_541 = vector.shape_cast %get3A_540 : vector<16xf32> to vector<16xf32>
      %max3A_542 = arith.maximumf %scan3A_502, %get3A_541 : vector<16xf32>
      %add3A_543 = arith.constant 64 : i32
      %add3A_544 = arith.addi %add3A_518, %add3A_543 : i32
      %get3A_545 = arith.index_cast %add3A_544 : i32 to index
      %get3A_546 = tpu.vector_load %arg8[%get3A_545] {strides = array<i32>} : memref<31744xf32, #tpu.memory_space<vmem>>, vector<16xf32>,
      %get3A_547 = vector.shape_cast %get3A_546 : vector<16xf32> to vector<16xf32>
      %max3A_548 = arith.maximumf %scan3A_503, %get3A_547 : vector<16xf32>
      %add3A_549 = arith.constant 80 : i32
      %add3A_550 = arith.addi %add3A_518, %add3A_549 : i32
      %get3A_551 = arith.index_cast %add3A_550 : i32 to index
      %get3A_552 = tpu.vector_load %arg8[%get3A_551] {strides = array<i32>} : memref<31744xf32, #tpu.memory_space<vmem>>, vector<16xf32>,
      %get3A_553 = vector.shape_cast %get3A_552 : vector<16xf32> to vector<16xf32>
      %max3A_554 = arith.maximumf %scan3A_504, %get3A_553 : vector<16xf32>
      %add3A_555 = arith.constant 96 : i32
      %add3A_556 = arith.addi %add3A_518, %add3A_555 : i32
      %get3A_557 = arith.index_cast %add3A_556 : i32 to index
      %get3A_558 = tpu.vector_load %arg8[%get3A_557] {strides = array<i32>} : memref<31744xf32, #tpu.memory_space<vmem>>, vector<16xf32>,
      %get3A_559 = vector.shape_cast %get3A_558 : vector<16xf32> to vector<16xf32>
      %max3A_560 = arith.maximumf %scan3A_505, %get3A_559 : vector<16xf32>
      %add3A_561 = arith.constant 112 : i32
      %add3A_562 = arith.addi %add3A_518, %add3A_561 : i32
      %get3A_563 = arith.index_cast %add3A_562 : i32 to index
      %get3A_564 = tpu.vector_load %arg8[%get3A_563] {strides = array<i32>} : memref<31744xf32, #tpu.memory_space<vmem>>, vector<16xf32>,
      %get3A_565 = vector.shape_cast %get3A_564 : vector<16xf32> to vector<16xf32>
      %max3A_566 = arith.maximumf %scan3A_506, %get3A_565 : vector<16xf32>
      %add3A_567 = arith.constant 128 : i32
      %add3A_568 = arith.addi %add3A_518, %add3A_567 : i32
      %get3A_569 = arith.index_cast %add3A_568 : i32 to index
      %get3A_570 = tpu.vector_load %arg8[%get3A_569] {strides = array<i32>} : memref<31744xf32, #tpu.memory_space<vmem>>, vector<16xf32>,
      %get3A_571 = vector.shape_cast %get3A_570 : vector<16xf32> to vector<16xf32>
      %max3A_572 = arith.maximumf %scan3A_507, %get3A_571 : vector<16xf32>
      %add3A_573 = arith.constant 144 : i32
      %add3A_574 = arith.addi %add3A_518, %add3A_573 : i32
      %get3A_575 = arith.index_cast %add3A_574 : i32 to index
      %get3A_576 = tpu.vector_load %arg8[%get3A_575] {strides = array<i32>} : memref<31744xf32, #tpu.memory_space<vmem>>, vector<16xf32>,
      %get3A_577 = vector.shape_cast %get3A_576 : vector<16xf32> to vector<16xf32>
      %max3A_578 = arith.maximumf %scan3A_508, %get3A_577 : vector<16xf32>
      %add3A_579 = arith.constant 160 : i32
      %add3A_580 = arith.addi %add3A_518, %add3A_579 : i32
      %get3A_581 = arith.index_cast %add3A_580 : i32 to index
      %get3A_582 = tpu.vector_load %arg8[%get3A_581] {strides = array<i32>} : memref<31744xf32, #tpu.memory_space<vmem>>, vector<16xf32>,
      %get3A_583 = vector.shape_cast %get3A_582 : vector<16xf32> to vector<16xf32>
      %max3A_584 = arith.maximumf %scan3A_509, %get3A_583 : vector<16xf32>
      %add3A_585 = arith.constant 176 : i32
      %add3A_586 = arith.addi %add3A_518, %add3A_585 : i32
      %get3A_587 = arith.index_cast %add3A_586 : i32 to index
      %get3A_588 = tpu.vector_load %arg8[%get3A_587] {strides = array<i32>} : memref<31744xf32, #tpu.memory_space<vmem>>, vector<16xf32>,
      %get3A_589 = vector.shape_cast %get3A_588 : vector<16xf32> to vector<16xf32>
      %max3A_590 = arith.maximumf %scan3A_510, %get3A_589 : vector<16xf32>
      %add3A_591 = arith.constant 192 : i32
      %add3A_592 = arith.addi %add3A_518, %add3A_591 : i32
      %get3A_593 = arith.index_cast %add3A_592 : i32 to index
      %get3A_594 = tpu.vector_load %arg8[%get3A_593] {strides = array<i32>} : memref<31744xf32, #tpu.memory_space<vmem>>, vector<16xf32>,
      %get3A_595 = vector.shape_cast %get3A_594 : vector<16xf32> to vector<16xf32>
      %max3A_596 = arith.maximumf %scan3A_511, %get3A_595 : vector<16xf32>
      %add3A_597 = arith.constant 208 : i32
      %add3A_598 = arith.addi %add3A_518, %add3A_597 : i32
      %get3A_599 = arith.index_cast %add3A_598 : i32 to index
      %get3A_600 = tpu.vector_load %arg8[%get3A_599] {strides = array<i32>} : memref<31744xf32, #tpu.memory_space<vmem>>, vector<16xf32>,
      %get3A_601 = vector.shape_cast %get3A_600 : vector<16xf32> to vector<16xf32>
      %max3A_602 = arith.maximumf %scan3A_512, %get3A_601 : vector<16xf32>
      %add3A_603 = arith.constant 224 : i32
      %add3A_604 = arith.addi %add3A_518, %add3A_603 : i32
      %get3A_605 = arith.index_cast %add3A_604 : i32 to index
      %get3A_606 = tpu.vector_load %arg8[%get3A_605] {strides = array<i32>} : memref<31744xf32, #tpu.memory_space<vmem>>, vector<16xf32>,
      %get3A_607 = vector.shape_cast %get3A_606 : vector<16xf32> to vector<16xf32>
      %max3A_608 = arith.maximumf %scan3A_513, %get3A_607 : vector<16xf32>
      %add3A_609 = arith.constant 240 : i32
      %add3A_610 = arith.addi %add3A_518, %add3A_609 : i32
      %get3A_611 = arith.index_cast %add3A_610 : i32 to index
      %get3A_612 = tpu.vector_load %arg8[%get3A_611] {strides = array<i32>} : memref<31744xf32, #tpu.memory_space<vmem>>, vector<16xf32>,
      %get3A_613 = vector.shape_cast %get3A_612 : vector<16xf32> to vector<16xf32>
      %max3A_614 = arith.maximumf %scan3A_514, %get3A_613 : vector<16xf32>
      scf.yield %max3A_524, %max3A_530, %max3A_536, %max3A_542, %max3A_548, %max3A_554, %max3A_560, %max3A_566, %max3A_572, %max3A_578, %max3A_584, %max3A_590, %max3A_596, %max3A_602, %max3A_608, %max3A_614 : vector<16xf32>, vector<16xf32>, vector<16xf32>, vector<16xf32>, vector<16xf32>, vector<16xf32>, vector<16xf32>, vector<16xf32>, vector<16xf32>, vector<16xf32>, vector<16xf32>, vector<16xf32>, vector<16xf32>, vector<16xf32>, vector<16xf32>, vector<16xf32>
    }
    %scan3A_225 = arith.constant 31 : i32
    %max3A = arith.maximumf %scan3A_224#0, %scan3A_224#1 : vector<16xf32>
    %max3A_226 = arith.maximumf %max3A, %scan3A_224#2 : vector<16xf32>
    %max3A_227 = arith.maximumf %max3A_226, %scan3A_224#3 : vector<16xf32>
    %max3A_228 = arith.maximumf %max3A_227, %scan3A_224#4 : vector<16xf32>
    %max3A_229 = arith.maximumf %max3A_228, %scan3A_224#5 : vector<16xf32>
    %max3A_230 = arith.maximumf %max3A_229, %scan3A_224#6 : vector<16xf32>
    %max3A_231 = arith.maximumf %max3A_230, %scan3A_224#7 : vector<16xf32>
    %max3A_232 = arith.maximumf %max3A_231, %scan3A_224#8 : vector<16xf32>
    %max3A_233 = arith.maximumf %max3A_232, %scan3A_224#9 : vector<16xf32>
    %max3A_234 = arith.maximumf %max3A_233, %scan3A_224#10 : vector<16xf32>
    %max3A_235 = arith.maximumf %max3A_234, %scan3A_224#11 : vector<16xf32>
    %max3A_236 = arith.maximumf %max3A_235, %scan3A_224#12 : vector<16xf32>
    %max3A_237 = arith.maximumf %max3A_236, %scan3A_224#13 : vector<16xf32>
    %max3A_238 = arith.maximumf %max3A_237, %scan3A_224#14 : vector<16xf32>
    %max3A_239 = arith.maximumf %max3A_238, %scan3A_224#15 : vector<16xf32>
    %dma_wait3A_240 = arith.constant 0 : i32
    %dma_wait3A_241 = arith.constant 0 : i32
    %dma_wait3A_242 = arith.constant 0 : i32
    %dma_wait3A_243 = arith.constant 0 : i32
    %dma_wait3A_244 = tpu.memref_slice %arg7[%dma_wait3A_242, %dma_wait3A_243] : memref<4x128xf32, #tpu.memory_space<vmem>> -> memref<1x128xf32, #tpu.memory_space<vmem>>
    %dma_wait3A_245 = tpu.memref_squeeze %dma_wait3A_244 : memref<1x128xf32, #tpu.memory_space<vmem>> -> memref<128xf32, #tpu.memory_space<vmem>>
    %dma_wait3A_246 = arith.constant 0 : i32
    %dma_wait3A_247 = tpu.memref_slice %arg6[%dma_wait3A_241, %dma_wait3A_246] : memref<4x128xi32, #tpu.memory_space<vmem>> -> memref<1x128xi32, #tpu.memory_space<vmem>>
    %dma_wait3A_248 = tpu.memref_squeeze %dma_wait3A_247 : memref<1x128xi32, #tpu.memory_space<vmem>> -> memref<128xi32, #tpu.memory_space<vmem>>
    %dma_wait3A_249 = arith.constant 0 : i32
    %dma_wait3A_250 = tpu.memref_slice %arg3[%dma_wait3A_240, %dma_wait3A_249] : memref<1x1000000xf32, #tpu.memory_space<hbm>> -> memref<1x1000000xf32, #tpu.memory_space<hbm>>
    %dma_wait3A_251 = tpu.memref_squeeze %dma_wait3A_250 : memref<1x1000000xf32, #tpu.memory_space<hbm>> -> memref<1000000xf32, #tpu.memory_space<hbm>>
    %dma_wait3A_252 = arith.constant 0 : i32
    %dma_wait3A_253 = tpu.memref_slice %dma_wait3A_251[%dma_wait3A_252] : memref<1000000xf32, #tpu.memory_space<hbm>> -> memref<1000000xf32, #tpu.memory_space<hbm>>
    tpu.wait_indirect_dma semaphore(%arg10 : memref<!tpu.dma_semaphore, #tpu.memory_space<semaphore_mem>>) src(%dma_wait3A_253 : memref<1000000xf32, #tpu.memory_space<hbm>>) dst(%dma_wait3A_245 : memref<128xf32, #tpu.memory_space<vmem>>)
    %dma_wait3A_254 = arith.constant 0 : i32
    %dma_wait3A_255 = arith.constant 1 : i32
    %dma_wait3A_256 = arith.constant 1 : i32
    %dma_wait3A_257 = arith.constant 0 : i32
    %dma_wait3A_258 = tpu.memref_slice %arg7[%dma_wait3A_256, %dma_wait3A_257] : memref<4x128xf32, #tpu.memory_space<vmem>> -> memref<1x128xf32, #tpu.memory_space<vmem>>
    %dma_wait3A_259 = tpu.memref_squeeze %dma_wait3A_258 : memref<1x128xf32, #tpu.memory_space<vmem>> -> memref<128xf32, #tpu.memory_space<vmem>>
    %dma_wait3A_260 = arith.constant 0 : i32
    %dma_wait3A_261 = tpu.memref_slice %arg6[%dma_wait3A_255, %dma_wait3A_260] : memref<4x128xi32, #tpu.memory_space<vmem>> -> memref<1x128xi32, #tpu.memory_space<vmem>>
    %dma_wait3A_262 = tpu.memref_squeeze %dma_wait3A_261 : memref<1x128xi32, #tpu.memory_space<vmem>> -> memref<128xi32, #tpu.memory_space<vmem>>
    %dma_wait3A_263 = arith.constant 0 : i32
    %dma_wait3A_264 = tpu.memref_slice %arg3[%dma_wait3A_254, %dma_wait3A_263] : memref<1x1000000xf32, #tpu.memory_space<hbm>> -> memref<1x1000000xf32, #tpu.memory_space<hbm>>
    %dma_wait3A_265 = tpu.memref_squeeze %dma_wait3A_264 : memref<1x1000000xf32, #tpu.memory_space<hbm>> -> memref<1000000xf32, #tpu.memory_space<hbm>>
    %dma_wait3A_266 = arith.constant 0 : i32
    %dma_wait3A_267 = tpu.memref_slice %dma_wait3A_265[%dma_wait3A_266] : memref<1000000xf32, #tpu.memory_space<hbm>> -> memref<1000000xf32, #tpu.memory_space<hbm>>
    tpu.wait_indirect_dma semaphore(%arg10 : memref<!tpu.dma_semaphore, #tpu.memory_space<semaphore_mem>>) src(%dma_wait3A_267 : memref<1000000xf32, #tpu.memory_space<hbm>>) dst(%dma_wait3A_259 : memref<128xf32, #tpu.memory_space<vmem>>)
    %dma_wait3A_268 = arith.constant 0 : i32
    %dma_wait3A_269 = arith.constant 2 : i32
    %dma_wait3A_270 = arith.constant 2 : i32
    %dma_wait3A_271 = arith.constant 0 : i32
    %dma_wait3A_272 = tpu.memref_slice %arg7[%dma_wait3A_270, %dma_wait3A_271] : memref<4x128xf32, #tpu.memory_space<vmem>> -> memref<1x128xf32, #tpu.memory_space<vmem>>
    %dma_wait3A_273 = tpu.memref_squeeze %dma_wait3A_272 : memref<1x128xf32, #tpu.memory_space<vmem>> -> memref<128xf32, #tpu.memory_space<vmem>>
    %dma_wait3A_274 = arith.constant 0 : i32
    %dma_wait3A_275 = tpu.memref_slice %arg6[%dma_wait3A_269, %dma_wait3A_274] : memref<4x128xi32, #tpu.memory_space<vmem>> -> memref<1x128xi32, #tpu.memory_space<vmem>>
    %dma_wait3A_276 = tpu.memref_squeeze %dma_wait3A_275 : memref<1x128xi32, #tpu.memory_space<vmem>> -> memref<128xi32, #tpu.memory_space<vmem>>
    %dma_wait3A_277 = arith.constant 0 : i32
    %dma_wait3A_278 = tpu.memref_slice %arg3[%dma_wait3A_268, %dma_wait3A_277] : memref<1x1000000xf32, #tpu.memory_space<hbm>> -> memref<1x1000000xf32, #tpu.memory_space<hbm>>
    %dma_wait3A_279 = tpu.memref_squeeze %dma_wait3A_278 : memref<1x1000000xf32, #tpu.memory_space<hbm>> -> memref<1000000xf32, #tpu.memory_space<hbm>>
    %dma_wait3A_280 = arith.constant 0 : i32
    %dma_wait3A_281 = tpu.memref_slice %dma_wait3A_279[%dma_wait3A_280] : memref<1000000xf32, #tpu.memory_space<hbm>> -> memref<1000000xf32, #tpu.memory_space<hbm>>
    tpu.wait_indirect_dma semaphore(%arg10 : memref<!tpu.dma_semaphore, #tpu.memory_space<semaphore_mem>>) src(%dma_wait3A_281 : memref<1000000xf32, #tpu.memory_space<hbm>>) dst(%dma_wait3A_273 : memref<128xf32, #tpu.memory_space<vmem>>)
    %dma_wait3A_282 = arith.constant 0 : i32
    %dma_wait3A_283 = arith.constant 3 : i32
    %dma_wait3A_284 = arith.constant 3 : i32
    %dma_wait3A_285 = arith.constant 0 : i32
    %dma_wait3A_286 = tpu.memref_slice %arg7[%dma_wait3A_284, %dma_wait3A_285] : memref<4x128xf32, #tpu.memory_space<vmem>> -> memref<1x128xf32, #tpu.memory_space<vmem>>
    %dma_wait3A_287 = tpu.memref_squeeze %dma_wait3A_286 : memref<1x128xf32, #tpu.memory_space<vmem>> -> memref<128xf32, #tpu.memory_space<vmem>>
    %dma_wait3A_288 = arith.constant 0 : i32
    %dma_wait3A_289 = tpu.memref_slice %arg6[%dma_wait3A_283, %dma_wait3A_288] : memref<4x128xi32, #tpu.memory_space<vmem>> -> memref<1x128xi32, #tpu.memory_space<vmem>>
    %dma_wait3A_290 = tpu.memref_squeeze %dma_wait3A_289 : memref<1x128xi32, #tpu.memory_space<vmem>> -> memref<128xi32, #tpu.memory_space<vmem>>
    %dma_wait3A_291 = arith.constant 0 : i32
    %dma_wait3A_292 = tpu.memref_slice %arg3[%dma_wait3A_282, %dma_wait3A_291] : memref<1x1000000xf32, #tpu.memory_space<hbm>> -> memref<1x1000000xf32, #tpu.memory_space<hbm>>
    %dma_wait3A_293 = tpu.memref_squeeze %dma_wait3A_292 : memref<1x1000000xf32, #tpu.memory_space<hbm>> -> memref<1000000xf32, #tpu.memory_space<hbm>>
    %dma_wait3A_294 = arith.constant 0 : i32
    %dma_wait3A_295 = tpu.memref_slice %dma_wait3A_293[%dma_wait3A_294] : memref<1000000xf32, #tpu.memory_space<hbm>> -> memref<1000000xf32, #tpu.memory_space<hbm>>
    tpu.wait_indirect_dma semaphore(%arg10 : memref<!tpu.dma_semaphore, #tpu.memory_space<semaphore_mem>>) src(%dma_wait3A_295 : memref<1000000xf32, #tpu.memory_space<hbm>>) dst(%dma_wait3A_287 : memref<128xf32, #tpu.memory_space<vmem>>)
    %broadcast_in_dim3A_296 = arith.constant 0xFF800000 : f32
    %broadcast_in_dim3A_297 = vector.broadcast %broadcast_in_dim3A_296 : f32 to vector<16xf32>
    %get3A = arith.constant 0 : i32
    %get3A_298 = arith.index_cast %get3A : i32 to index
    %get3A_299 = arith.constant 0 : index
    %get3A_300 = tpu.vector_load %arg7[%get3A_298, %get3A_299] {strides = array<i32>} : memref<4x128xf32, #tpu.memory_space<vmem>>, vector<1x16xf32>,
    %get3A_301 = vector.shape_cast %get3A_300 : vector<1x16xf32> to vector<16xf32>
    %max3A_302 = arith.maximumf %broadcast_in_dim3A_297, %get3A_301 : vector<16xf32>
    %get3A_303 = arith.constant 0 : i32
    %get3A_304 = arith.index_cast %get3A_303 : i32 to index
    %get3A_305 = arith.constant 16 : index
    %get3A_306 = tpu.vector_load %arg7[%get3A_304, %get3A_305] {strides = array<i32>} : memref<4x128xf32, #tpu.memory_space<vmem>>, vector<1x16xf32>,
    %get3A_307 = vector.shape_cast %get3A_306 : vector<1x16xf32> to vector<16xf32>
    %max3A_308 = arith.maximumf %max3A_302, %get3A_307 : vector<16xf32>
    %get3A_309 = arith.constant 0 : i32
    %get3A_310 = arith.index_cast %get3A_309 : i32 to index
    %get3A_311 = arith.constant 32 : index
    %get3A_312 = tpu.vector_load %arg7[%get3A_310, %get3A_311] {strides = array<i32>} : memref<4x128xf32, #tpu.memory_space<vmem>>, vector<1x16xf32>,
    %get3A_313 = vector.shape_cast %get3A_312 : vector<1x16xf32> to vector<16xf32>
    %max3A_314 = arith.maximumf %max3A_308, %get3A_313 : vector<16xf32>
    %get3A_315 = arith.constant 0 : i32
    %get3A_316 = arith.index_cast %get3A_315 : i32 to index
    %get3A_317 = arith.constant 48 : index
    %get3A_318 = tpu.vector_load %arg7[%get3A_316, %get3A_317] {strides = array<i32>} : memref<4x128xf32, #tpu.memory_space<vmem>>, vector<1x16xf32>,
    %get3A_319 = vector.shape_cast %get3A_318 : vector<1x16xf32> to vector<16xf32>
    %max3A_320 = arith.maximumf %max3A_314, %get3A_319 : vector<16xf32>
    %get3A_321 = arith.constant 0 : i32
    %get3A_322 = arith.index_cast %get3A_321 : i32 to index
    %get3A_323 = arith.constant 64 : index
    %get3A_324 = tpu.vector_load %arg7[%get3A_322, %get3A_323] {strides = array<i32>} : memref<4x128xf32, #tpu.memory_space<vmem>>, vector<1x16xf32>,
    %get3A_325 = vector.shape_cast %get3A_324 : vector<1x16xf32> to vector<16xf32>
    %max3A_326 = arith.maximumf %max3A_320, %get3A_325 : vector<16xf32>
    %get3A_327 = arith.constant 0 : i32
    %get3A_328 = arith.index_cast %get3A_327 : i32 to index
    %get3A_329 = arith.constant 80 : index
    %get3A_330 = tpu.vector_load %arg7[%get3A_328, %get3A_329] {strides = array<i32>} : memref<4x128xf32, #tpu.memory_space<vmem>>, vector<1x16xf32>,
    %get3A_331 = vector.shape_cast %get3A_330 : vector<1x16xf32> to vector<16xf32>
    %max3A_332 = arith.maximumf %max3A_326, %get3A_331 : vector<16xf32>
    %get3A_333 = arith.constant 0 : i32
    %get3A_334 = arith.index_cast %get3A_333 : i32 to index
    %get3A_335 = arith.constant 96 : index
    %get3A_336 = tpu.vector_load %arg7[%get3A_334, %get3A_335] {strides = array<i32>} : memref<4x128xf32, #tpu.memory_space<vmem>>, vector<1x16xf32>,
    %get3A_337 = vector.shape_cast %get3A_336 : vector<1x16xf32> to vector<16xf32>
    %max3A_338 = arith.maximumf %max3A_332, %get3A_337 : vector<16xf32>
    %get3A_339 = arith.constant 0 : i32
    %get3A_340 = arith.index_cast %get3A_339 : i32 to index
    %get3A_341 = arith.constant 112 : index
    %get3A_342 = tpu.vector_load %arg7[%get3A_340, %get3A_341] {strides = array<i32>} : memref<4x128xf32, #tpu.memory_space<vmem>>, vector<1x16xf32>,
    %get3A_343 = vector.shape_cast %get3A_342 : vector<1x16xf32> to vector<16xf32>
    %max3A_344 = arith.maximumf %max3A_338, %get3A_343 : vector<16xf32>
    %get3A_345 = arith.constant 1 : i32
    %get3A_346 = arith.index_cast %get3A_345 : i32 to index
    %get3A_347 = arith.constant 0 : index
    %get3A_348 = tpu.vector_load %arg7[%get3A_346, %get3A_347] {strides = array<i32>} : memref<4x128xf32, #tpu.memory_space<vmem>>, vector<1x16xf32>,
    %get3A_349 = vector.shape_cast %get3A_348 : vector<1x16xf32> to vector<16xf32>
    %max3A_350 = arith.maximumf %max3A_344, %get3A_349 : vector<16xf32>
    %get3A_351 = arith.constant 1 : i32
    %get3A_352 = arith.index_cast %get3A_351 : i32 to index
    %get3A_353 = arith.constant 16 : index
    %get3A_354 = tpu.vector_load %arg7[%get3A_352, %get3A_353] {strides = array<i32>} : memref<4x128xf32, #tpu.memory_space<vmem>>, vector<1x16xf32>,
    %get3A_355 = vector.shape_cast %get3A_354 : vector<1x16xf32> to vector<16xf32>
    %max3A_356 = arith.maximumf %max3A_350, %get3A_355 : vector<16xf32>
    %get3A_357 = arith.constant 1 : i32
    %get3A_358 = arith.index_cast %get3A_357 : i32 to index
    %get3A_359 = arith.constant 32 : index
    %get3A_360 = tpu.vector_load %arg7[%get3A_358, %get3A_359] {strides = array<i32>} : memref<4x128xf32, #tpu.memory_space<vmem>>, vector<1x16xf32>,
    %get3A_361 = vector.shape_cast %get3A_360 : vector<1x16xf32> to vector<16xf32>
    %max3A_362 = arith.maximumf %max3A_356, %get3A_361 : vector<16xf32>
    %get3A_363 = arith.constant 1 : i32
    %get3A_364 = arith.index_cast %get3A_363 : i32 to index
    %get3A_365 = arith.constant 48 : index
    %get3A_366 = tpu.vector_load %arg7[%get3A_364, %get3A_365] {strides = array<i32>} : memref<4x128xf32, #tpu.memory_space<vmem>>, vector<1x16xf32>,
    %get3A_367 = vector.shape_cast %get3A_366 : vector<1x16xf32> to vector<16xf32>
    %max3A_368 = arith.maximumf %max3A_362, %get3A_367 : vector<16xf32>
    %get3A_369 = arith.constant 1 : i32
    %get3A_370 = arith.index_cast %get3A_369 : i32 to index
    %get3A_371 = arith.constant 64 : index
    %get3A_372 = tpu.vector_load %arg7[%get3A_370, %get3A_371] {strides = array<i32>} : memref<4x128xf32, #tpu.memory_space<vmem>>, vector<1x16xf32>,
    %get3A_373 = vector.shape_cast %get3A_372 : vector<1x16xf32> to vector<16xf32>
    %max3A_374 = arith.maximumf %max3A_368, %get3A_373 : vector<16xf32>
    %get3A_375 = arith.constant 1 : i32
    %get3A_376 = arith.index_cast %get3A_375 : i32 to index
    %get3A_377 = arith.constant 80 : index
    %get3A_378 = tpu.vector_load %arg7[%get3A_376, %get3A_377] {strides = array<i32>} : memref<4x128xf32, #tpu.memory_space<vmem>>, vector<1x16xf32>,
    %get3A_379 = vector.shape_cast %get3A_378 : vector<1x16xf32> to vector<16xf32>
    %max3A_380 = arith.maximumf %max3A_374, %get3A_379 : vector<16xf32>
    %get3A_381 = arith.constant 1 : i32
    %get3A_382 = arith.index_cast %get3A_381 : i32 to index
    %get3A_383 = arith.constant 96 : index
    %get3A_384 = tpu.vector_load %arg7[%get3A_382, %get3A_383] {strides = array<i32>} : memref<4x128xf32, #tpu.memory_space<vmem>>, vector<1x16xf32>,
    %get3A_385 = vector.shape_cast %get3A_384 : vector<1x16xf32> to vector<16xf32>
    %max3A_386 = arith.maximumf %max3A_380, %get3A_385 : vector<16xf32>
    %get3A_387 = arith.constant 1 : i32
    %get3A_388 = arith.index_cast %get3A_387 : i32 to index
    %get3A_389 = arith.constant 112 : index
    %get3A_390 = tpu.vector_load %arg7[%get3A_388, %get3A_389] {strides = array<i32>} : memref<4x128xf32, #tpu.memory_space<vmem>>, vector<1x16xf32>,
    %get3A_391 = vector.shape_cast %get3A_390 : vector<1x16xf32> to vector<16xf32>
    %max3A_392 = arith.maximumf %max3A_386, %get3A_391 : vector<16xf32>
    %get3A_393 = arith.constant 2 : i32
    %get3A_394 = arith.index_cast %get3A_393 : i32 to index
    %get3A_395 = arith.constant 0 : index
    %get3A_396 = tpu.vector_load %arg7[%get3A_394, %get3A_395] {strides = array<i32>} : memref<4x128xf32, #tpu.memory_space<vmem>>, vector<1x16xf32>,
    %get3A_397 = vector.shape_cast %get3A_396 : vector<1x16xf32> to vector<16xf32>
    %max3A_398 = arith.maximumf %max3A_392, %get3A_397 : vector<16xf32>
    %get3A_399 = arith.constant 2 : i32
    %get3A_400 = arith.index_cast %get3A_399 : i32 to index
    %get3A_401 = arith.constant 16 : index
    %get3A_402 = tpu.vector_load %arg7[%get3A_400, %get3A_401] {strides = array<i32>} : memref<4x128xf32, #tpu.memory_space<vmem>>, vector<1x16xf32>,
    %get3A_403 = vector.shape_cast %get3A_402 : vector<1x16xf32> to vector<16xf32>
    %max3A_404 = arith.maximumf %max3A_398, %get3A_403 : vector<16xf32>
    %get3A_405 = arith.constant 2 : i32
    %get3A_406 = arith.index_cast %get3A_405 : i32 to index
    %get3A_407 = arith.constant 32 : index
    %get3A_408 = tpu.vector_load %arg7[%get3A_406, %get3A_407] {strides = array<i32>} : memref<4x128xf32, #tpu.memory_space<vmem>>, vector<1x16xf32>,
    %get3A_409 = vector.shape_cast %get3A_408 : vector<1x16xf32> to vector<16xf32>
    %max3A_410 = arith.maximumf %max3A_404, %get3A_409 : vector<16xf32>
    %get3A_411 = arith.constant 2 : i32
    %get3A_412 = arith.index_cast %get3A_411 : i32 to index
    %get3A_413 = arith.constant 48 : index
    %get3A_414 = tpu.vector_load %arg7[%get3A_412, %get3A_413] {strides = array<i32>} : memref<4x128xf32, #tpu.memory_space<vmem>>, vector<1x16xf32>,
    %get3A_415 = vector.shape_cast %get3A_414 : vector<1x16xf32> to vector<16xf32>
    %max3A_416 = arith.maximumf %max3A_410, %get3A_415 : vector<16xf32>
    %get3A_417 = arith.constant 2 : i32
    %get3A_418 = arith.index_cast %get3A_417 : i32 to index
    %get3A_419 = arith.constant 64 : index
    %get3A_420 = tpu.vector_load %arg7[%get3A_418, %get3A_419] {strides = array<i32>} : memref<4x128xf32, #tpu.memory_space<vmem>>, vector<1x16xf32>,
    %get3A_421 = vector.shape_cast %get3A_420 : vector<1x16xf32> to vector<16xf32>
    %max3A_422 = arith.maximumf %max3A_416, %get3A_421 : vector<16xf32>
    %get3A_423 = arith.constant 2 : i32
    %get3A_424 = arith.index_cast %get3A_423 : i32 to index
    %get3A_425 = arith.constant 80 : index
    %get3A_426 = tpu.vector_load %arg7[%get3A_424, %get3A_425] {strides = array<i32>} : memref<4x128xf32, #tpu.memory_space<vmem>>, vector<1x16xf32>,
    %get3A_427 = vector.shape_cast %get3A_426 : vector<1x16xf32> to vector<16xf32>
    %max3A_428 = arith.maximumf %max3A_422, %get3A_427 : vector<16xf32>
    %get3A_429 = arith.constant 2 : i32
    %get3A_430 = arith.index_cast %get3A_429 : i32 to index
    %get3A_431 = arith.constant 96 : index
    %get3A_432 = tpu.vector_load %arg7[%get3A_430, %get3A_431] {strides = array<i32>} : memref<4x128xf32, #tpu.memory_space<vmem>>, vector<1x16xf32>,
    %get3A_433 = vector.shape_cast %get3A_432 : vector<1x16xf32> to vector<16xf32>
    %max3A_434 = arith.maximumf %max3A_428, %get3A_433 : vector<16xf32>
    %get3A_435 = arith.constant 2 : i32
    %get3A_436 = arith.index_cast %get3A_435 : i32 to index
    %get3A_437 = arith.constant 112 : index
    %get3A_438 = tpu.vector_load %arg7[%get3A_436, %get3A_437] {strides = array<i32>} : memref<4x128xf32, #tpu.memory_space<vmem>>, vector<1x16xf32>,
    %get3A_439 = vector.shape_cast %get3A_438 : vector<1x16xf32> to vector<16xf32>
    %max3A_440 = arith.maximumf %max3A_434, %get3A_439 : vector<16xf32>
    %get3A_441 = arith.constant 3 : i32
    %get3A_442 = arith.index_cast %get3A_441 : i32 to index
    %get3A_443 = arith.constant 0 : index
    %get3A_444 = tpu.vector_load %arg7[%get3A_442, %get3A_443] {strides = array<i32>} : memref<4x128xf32, #tpu.memory_space<vmem>>, vector<1x16xf32>,
    %get3A_445 = vector.shape_cast %get3A_444 : vector<1x16xf32> to vector<16xf32>
    %max3A_446 = arith.maximumf %max3A_440, %get3A_445 : vector<16xf32>
    %get3A_447 = arith.constant 3 : i32
    %get3A_448 = arith.index_cast %get3A_447 : i32 to index
    %get3A_449 = arith.constant 16 : index
    %get3A_450 = tpu.vector_load %arg7[%get3A_448, %get3A_449] {strides = array<i32>} : memref<4x128xf32, #tpu.memory_space<vmem>>, vector<1x16xf32>,
    %get3A_451 = vector.shape_cast %get3A_450 : vector<1x16xf32> to vector<16xf32>
    %max3A_452 = arith.maximumf %max3A_446, %get3A_451 : vector<16xf32>
    %get3A_453 = arith.constant 3 : i32
    %get3A_454 = arith.index_cast %get3A_453 : i32 to index
    %get3A_455 = arith.constant 32 : index
    %get3A_456 = tpu.vector_load %arg7[%get3A_454, %get3A_455] {strides = array<i32>} : memref<4x128xf32, #tpu.memory_space<vmem>>, vector<1x16xf32>,
    %get3A_457 = vector.shape_cast %get3A_456 : vector<1x16xf32> to vector<16xf32>
    %max3A_458 = arith.maximumf %max3A_452, %get3A_457 : vector<16xf32>
    %get3A_459 = arith.constant 3 : i32
    %get3A_460 = arith.index_cast %get3A_459 : i32 to index
    %get3A_461 = arith.constant 48 : index
    %get3A_462 = tpu.vector_load %arg7[%get3A_460, %get3A_461] {strides = array<i32>} : memref<4x128xf32, #tpu.memory_space<vmem>>, vector<1x16xf32>,
    %get3A_463 = vector.shape_cast %get3A_462 : vector<1x16xf32> to vector<16xf32>
    %max3A_464 = arith.maximumf %max3A_458, %get3A_463 : vector<16xf32>
    %get3A_465 = arith.constant 3 : i32
    %get3A_466 = arith.index_cast %get3A_465 : i32 to index
    %get3A_467 = arith.constant 64 : index
    %get3A_468 = tpu.vector_load %arg7[%get3A_466, %get3A_467] {strides = array<i32>} : memref<4x128xf32, #tpu.memory_space<vmem>>, vector<1x16xf32>,
    %get3A_469 = vector.shape_cast %get3A_468 : vector<1x16xf32> to vector<16xf32>
    %max3A_470 = arith.maximumf %max3A_464, %get3A_469 : vector<16xf32>
    %get3A_471 = arith.constant 3 : i32
    %get3A_472 = arith.index_cast %get3A_471 : i32 to index
    %get3A_473 = arith.constant 80 : index
    %get3A_474 = tpu.vector_load %arg7[%get3A_472, %get3A_473] {strides = array<i32>} : memref<4x128xf32, #tpu.memory_space<vmem>>, vector<1x16xf32>,
    %get3A_475 = vector.shape_cast %get3A_474 : vector<1x16xf32> to vector<16xf32>
    %max3A_476 = arith.maximumf %max3A_470, %get3A_475 : vector<16xf32>
    %get3A_477 = arith.constant 3 : i32
    %get3A_478 = arith.index_cast %get3A_477 : i32 to index
    %get3A_479 = arith.constant 96 : index
    %get3A_480 = tpu.vector_load %arg7[%get3A_478, %get3A_479] {strides = array<i32>} : memref<4x128xf32, #tpu.memory_space<vmem>>, vector<1x16xf32>,
    %get3A_481 = vector.shape_cast %get3A_480 : vector<1x16xf32> to vector<16xf32>
    %max3A_482 = arith.maximumf %max3A_476, %get3A_481 : vector<16xf32>
    %get3A_483 = arith.constant 3 : i32
    %get3A_484 = arith.index_cast %get3A_483 : i32 to index
    %get3A_485 = arith.constant 112 : index
    %get3A_486 = tpu.vector_load %arg7[%get3A_484, %get3A_485] {strides = array<i32>} : memref<4x128xf32, #tpu.memory_space<vmem>>, vector<1x16xf32>,
    %get3A_487 = vector.shape_cast %get3A_486 : vector<1x16xf32> to vector<16xf32>
    %max3A_488 = arith.maximumf %max3A_482, %get3A_487 : vector<16xf32>
    %add3A_489 = arith.constant 1.000000e+00 : f32
    %add3A_490 = vector.broadcast %add3A_489 : f32 to vector<16xf32>
    %add3A_491 = arith.addf %max3A_488, %add3A_490 : vector<16xf32>
    %max3A_492 = arith.maximumf %max3A_239, %add3A_491 : vector<16xf32>
    %swap3A = arith.constant 0 : index
    %swap3A_493 = tpu.vector_load %arg9[%swap3A] {strides = array<i32>} : memref<16xf32, #tpu.memory_space<vmem>>, vector<16xf32>,
    %swap3A_494 = vector.shape_cast %swap3A_493 : vector<16xf32> to vector<16xf32>
    %swap3A_495 = vector.shape_cast %max3A_492 : vector<16xf32> to vector<16xf32>
    tpu.vector_store %arg9[%swap3A], %swap3A_495 {strides = array<i32>} : memref<16xf32, #tpu.memory_space<vmem>>, vector<16xf32>,
    "tpu.region"() ({
      %run_scoped3A = tpu.sem_alloc : memref<!tpu.dma_semaphore, #tpu.memory_space<semaphore_mem>>
      %dma_start3A_498 = arith.constant 0 : i32
      %dma_start3A_499 = tpu.memref_slice %arg5[%add3A, %dma_start3A_498] : memref<32x16xf32, #tpu.memory_space<hbm>> -> memref<1x16xf32, #tpu.memory_space<hbm>>
      %dma_start3A_500 = tpu.memref_squeeze %dma_start3A_499 : memref<1x16xf32, #tpu.memory_space<hbm>> -> memref<16xf32, #tpu.memory_space<hbm>>
      %dma_start3A_501 = arith.constant 0 : i32
      %dma_start3A_502 = tpu.memref_slice %arg5[%add3A, %dma_start3A_501] : memref<32x16xf32, #tpu.memory_space<hbm>> -> memref<1x16xf32, #tpu.memory_space<hbm>>
      %dma_start3A_503 = tpu.memref_squeeze %dma_start3A_502 : memref<1x16xf32, #tpu.memory_space<hbm>> -> memref<16xf32, #tpu.memory_space<hbm>>
      tpu.enqueue_dma source(%arg9 : memref<16xf32, #tpu.memory_space<vmem>>) target(%dma_start3A_503 : memref<16xf32, #tpu.memory_space<hbm>>) target_semaphore(%run_scoped3A : memref<!tpu.dma_semaphore, #tpu.memory_space<semaphore_mem>>)
      %dma_wait3A_504 = arith.constant 0 : i32
      %dma_wait3A_505 = tpu.memref_slice %arg5[%add3A, %dma_wait3A_504] : memref<32x16xf32, #tpu.memory_space<hbm>> -> memref<1x16xf32, #tpu.memory_space<hbm>>
      %dma_wait3A_506 = tpu.memref_squeeze %dma_wait3A_505 : memref<1x16xf32, #tpu.memory_space<hbm>> -> memref<16xf32, #tpu.memory_space<hbm>>
      %dma_wait3A_507 = arith.constant 0 : i32
      %dma_wait3A_508 = tpu.memref_slice %arg5[%add3A, %dma_wait3A_507] : memref<32x16xf32, #tpu.memory_space<hbm>> -> memref<1x16xf32, #tpu.memory_space<hbm>>
      %dma_wait3A_509 = tpu.memref_squeeze %dma_wait3A_508 : memref<1x16xf32, #tpu.memory_space<hbm>> -> memref<16xf32, #tpu.memory_space<hbm>>
      tpu.wait_dma2 semaphore(%run_scoped3A : memref<!tpu.dma_semaphore, #tpu.memory_space<semaphore_mem>>) src(%arg9 : memref<16xf32, #tpu.memory_space<vmem>>) dst(%dma_wait3A_509 : memref<16xf32, #tpu.memory_space<hbm>>)
      tpu.yield
    }) : () -> ()
    %mul3A_496 = arith.constant 4 : i32
    %mul3A_497 = arith.muli %add3A, %mul3A_496 : i32
    "tpu.region"() ({
      %run_scoped3A = tpu.sem_alloc : memref<!tpu.dma_semaphore, #tpu.memory_space<semaphore_mem>>
      %dma_start3A_498 = arith.constant 0 : i32
      %dma_start3A_499 = tpu.memref_slice %arg4[%mul3A_497, %dma_start3A_498] : memref<128x128xf32, #tpu.memory_space<hbm>> -> memref<4x128xf32, #tpu.memory_space<hbm>>
      %dma_start3A_500 = arith.constant 0 : i32
      %dma_start3A_501 = tpu.memref_slice %arg4[%mul3A_497, %dma_start3A_500] : memref<128x128xf32, #tpu.memory_space<hbm>> -> memref<4x128xf32, #tpu.memory_space<hbm>>
      tpu.enqueue_dma source(%arg7 : memref<4x128xf32, #tpu.memory_space<vmem>>) target(%dma_start3A_501 : memref<4x128xf32, #tpu.memory_space<hbm>>) target_semaphore(%run_scoped3A : memref<!tpu.dma_semaphore, #tpu.memory_space<semaphore_mem>>)
      %dma_wait3A_502 = arith.constant 0 : i32
      %dma_wait3A_503 = tpu.memref_slice %arg4[%mul3A_497, %dma_wait3A_502] : memref<128x128xf32, #tpu.memory_space<hbm>> -> memref<4x128xf32, #tpu.memory_space<hbm>>
      %dma_wait3A_504 = arith.constant 0 : i32
      %dma_wait3A_505 = tpu.memref_slice %arg4[%mul3A_497, %dma_wait3A_504] : memref<128x128xf32, #tpu.memory_space<hbm>> -> memref<4x128xf32, #tpu.memory_space<hbm>>
      tpu.wait_dma2 semaphore(%run_scoped3A : memref<!tpu.dma_semaphore, #tpu.memory_space<semaphore_mem>>) src(%arg7 : memref<4x128xf32, #tpu.memory_space<vmem>>) dst(%dma_wait3A_505 : memref<4x128xf32, #tpu.memory_space<hbm>>)
      tpu.yield
    }) : () -> ()
    return
  }
}

module attributes {stable_mosaic.version = 14 : i64} {
  func.func @_combine_body(%arg0: memref<128x128xf32, #tpu.memory_space<vmem>>, %arg1: memref<32x16xf32, #tpu.memory_space<vmem>>, %arg2: memref<128x128xf32, #tpu.memory_space<vmem>>) attributes {dimension_semantics = [], scalar_prefetch = 0 : i64, scratch_operands = 0 : i64, tpu.core_type = #tpu.core_type<tc>} {
    %get3A = arith.constant 0 : index
    %get3A_0 = arith.constant 0 : index
    %get3A_1 = vector.load %arg1[%get3A, %get3A_0] : memref<32x16xf32, #tpu.memory_space<vmem>>, vector<32x16xf32>
    %reduce_max3A = vector.shape_cast %get3A_1 : vector<32x16xf32> to vector<1x32x16xf32>
    %reduce_max3A_2 = arith.constant dense<0xFF800000> : vector<1xf32>
    %reduce_max3A_3 = vector.multi_reduction <maximumf>, %reduce_max3A, %reduce_max3A_2 [1, 2] : vector<1x32x16xf32> to vector<1xf32>
    %reduce_max3A_4 = vector.shape_cast %reduce_max3A_3 : vector<1xf32> to vector<1x1x1xf32>
    %reduce_max3A_5 = vector.extract %reduce_max3A_4[0, 0, 0] : f32 from vector<1x1x1xf32>
    %get3A_6 = arith.constant 0 : index
    %get3A_7 = arith.constant 0 : index
    %get3A_8 = vector.load %arg0[%get3A_6, %get3A_7] : memref<128x128xf32, #tpu.memory_space<vmem>>, vector<128x128xf32>
    %add3A = arith.constant 1.000000e+00 : f32
    %add3A_9 = vector.broadcast %add3A : f32 to vector<128x128xf32>
    %add3A_10 = arith.addf %get3A_8, %add3A_9 : vector<128x128xf32>
    %div3A = arith.constant 1.000000e+00 : f32
    %div3A_11 = arith.divf %div3A, %reduce_max3A_5 : f32
    %mul3A = vector.broadcast %div3A_11 : f32 to vector<128x128xf32>
    %mul3A_12 = arith.mulf %add3A_10, %mul3A : vector<128x128xf32>
    %swap3A = arith.constant 0 : index
    %swap3A_13 = arith.constant 0 : index
    %swap3A_14 = vector.load %arg2[%swap3A, %swap3A_13] : memref<128x128xf32, #tpu.memory_space<vmem>>, vector<128x128xf32>
    tpu.vector_store %arg2[%swap3A, %swap3A_13], %mul3A_12 {strides = array<i32>} : memref<128x128xf32, #tpu.memory_space<vmem>>, vector<128x128xf32>,
    return
  }
}

</mosaic_0001>

<sc_bundles>
// kernel: kernel.4.cloned.1.call-start
scs
__scs_entry_jumppad:
0x0: {  	(pc) =	sbr.rel $0x88, $3  }
0x1: {  	(tag) =	ssettag $0x0;
	lr =	simm.s32 $0x1  }
0x2: {  	[smem:$0x3F9F] =	sst lr;
	_ =	strace $0xD0000000  }
0x3: {  	_ = 	snop  }
0x4: {  	_ = 	snop  }
0x5: {  	_ = 	snop  }
0x6: {  	_ = 	snop  }
0x7: {  	_ = 	snop  }
__scs_overlays_trampoline_lowered:
0x8: {  	[smem:$0x3FAE] =	sst s0  }
0x9: {  	[smem:$0x3FAF] =	sst s1  }
0xa: {  	[smem:$0x3FB0] =	sst s2  }
0xb: {  	[smem:$0x3FB1] =	sst s3  }
0xc: {  	[smem:$0x3FB2] =	sst s4  }
0xd: {  	[smem:$0x3FB3] =	sst s5  }
0xe: {  	[smem:$0x3FB4] =	sst s6  }
0xf: {  	[smem:$0x3FB5] =	sst s7  }
0x10: {  	[smem:$0x3FB6] =	sst s8  }
0x11: {  	[smem:$0x3FB7] =	sst s9;
	s0 =	simm.s32 @!p0 $0x0  }
0x12: {  	s1 =	sld [smem:$0x3F9D];
	s0 =	simm.s32 @p0 $0x1  }
0x13: {  	[smem:$0x3FB8] =	sst s0;
	s0 =	simm.s32 @!p1 $0x0  }
0x14: {  	s2 =	sld [smem:$0x3F9C];
	s0 =	simm.s32 @p1 $0x1  }
0x15: {  	[smem:$0x3FB9] =	sst s0;
	s0 =	simm.s32 @!p2 $0x0  }
0x16: {  	s3 =	sld [smem:$0x3FDB];
	s0 =	simm.s32 @p2 $0x1  }
0x17: {  	s4 =	simm.s32 $0x1BF5;
	[smem:$0x3FBB] =	sst s0  }
0x18: {  	s0 =	sld [smem:$0x3F9E];
	_ =	swait.ge [sflag:s4], $0x0  }
0x19: {  	s7 =	sld [smem:$0x3F9F]  }
0x1a: {  	s8 =	sadd.s32 $0xFFFFE003, lr  }
0x1b: {  	s9 =	sadd.s32 $0xFFFFFEF7, lr;
	s5 =	simm.s32 $0xFFFFFFFF;
	p2 =	slt.u32 s8, $0xFFFFF086  }
0x1c: {  	p1 =	slt.u32 s9, $0xF7A;
	s5 =	simm.s32 @!p2 $0x0  }
0x1d: {  	s5 =	simm.s32 @p1 $0x1;
	p0 =	seq.s32 s7, s2  }
0x1e: {  	s7 =	smul.u32 @!p0 $0xF7A, s2;
	p2 =	seq.s32 @!p0 s5, $0x0  }
0x1f: {  	s9 =	smul.u32 $0xF7A, s1;
	s8 =	simm.s32 @!p0 $0x1BF5;
	p2 =	por !p2, p0  }
0x20: {  	[sflag:s8] =	ssyncset.s32 @!p0 $0xFFFFF086;
	s6 =	sadd.s32 @!p0 s3, s7;
	s7 =	simm.s32 @!p0 $0x108  }
0x21: {  	s3 =	sadd.s32 s3, s9;
	s6 =	sadd.s32 @!p0 $0x88, s6;
	s7 =	simm.s32 @p2 $0x1082  }
0x22: {  	[simem:s7], [sflag:s8] =	dma.local @!p0 [hbm:s6], $0xF7A  }
0x23: {  	s9 =	sor.u32 $0xD0000000, s2;
	s6 =	simm.s32 $0x108;
	_ =	swait.ge @!p0 [sflag:s8], $0x0  }
0x24: {  	s3 =	sadd.s32 $0x88, s3;
	s6 =	simm.s32 @!p1 $0x1082;
	[sflag:s4] =	ssyncset.s32 $0xFFFFF086  }
0x25: {  	[simem:s6], [sflag:s4] =	dma.local [hbm:s3], $0xF7A  }
0x26: {  	[smem:$0x3F9F] =	sst s1;
	(tag) =	ssettag s2;
	_ =	strace s9  }
0x27: {  	s1 =	sld [smem:$0x3FAF]  }
0x28: {  	s2 =	sld [smem:$0x3FB0]  }
0x29: {  	s4 =	sld [smem:$0x3FB2]  }
0x2a: {  	p0 =	seq.s32 s5, $0x0;
	s5 =	sld [smem:$0x3FB3]  }
0x2b: {  	s6 =	sld [smem:$0x3FB4]  }
0x2c: {  	s7 =	sld [smem:$0x3FB5]  }
0x2d: {  	s3 =	simm.s32 $0x108;
	s8 =	sld [smem:$0x3FB6]  }
0x2e: {  	s3 =	simm.s32 @!p0 $0x1082;
	s9 =	sld [smem:$0x3FB7]  }
0x2f: {  	lr =	sadd.s32 s0, s3;
	s0 =	sld [smem:$0x3FAE]  }
0x30: {  	s3 =	sld [smem:$0x3FB1]  }
0x31: {  	[smem:$0x3FBA] =	sst s10  }
0x32: {  	s10 =	sld [smem:$0x3FB8];
	_ =	sdelay $0x3  }
0x33: {  	p0 =	seq.s32 s10, $0x1;
	s10 =	sld [smem:$0x3FBA];
	_ =	sdelay $0x3  }
0x34: {  	[smem:$0x3FBA] =	sst s10  }
0x35: {  	s10 =	sld [smem:$0x3FB9];
	_ =	sdelay $0x3  }
0x36: {  	p1 =	seq.s32 s10, $0x1;
	s10 =	sld [smem:$0x3FBA];
	_ =	sdelay $0x3  }
0x37: {  	[smem:$0x3FBA] =	sst s10  }
0x38: {  	s10 =	sld [smem:$0x3FBB]  }
0x39: {  	_ = 	snop;
	(pc) =	sbr.ind lr, $3  }
0x3a: {  	_ = 	snop  }
0x3b: {  	_ = 	snop  }
0x3c: {  	p2 =	seq.s32 s10, $0x1;
	s10 =	sld [smem:$0x3FBA]  }
0x3d: {  	_ =	shalt  }
0x3e: {  	_ =	shalt  }
0x3f: {  	_ =	shalt  }
0x40: {  	_ =	shalt  }
0x41: {  	_ =	shalt  }
0x42: {  	_ =	shalt  }
0x43: {  	_ =	shalt  }
0x44: {  	_ =	shalt  }
0x45: {  	_ =	shalt  }
0x46: {  	_ =	shalt  }
0x47: {  	_ =	shalt  }
0x48: {  	_ =	shalt  }
0x49: {  	_ =	shalt  }
0x4a: {  	_ =	shalt  }
0x4b: {  	_ =	shalt  }
0x4c: {  	_ =	shalt  }
0x4d: {  	_ =	shalt  }
0x4e: {  	_ =	shalt  }
0x4f: {  	_ =	shalt  }
0x50: {  	_ =	shalt  }
0x51: {  	_ =	shalt  }
0x52: {  	_ =	shalt  }
0x53: {  	_ =	shalt  }
0x54: {  	_ =	shalt  }
0x55: {  	_ =	shalt  }
0x56: {  	_ =	shalt  }
0x57: {  	_ =	shalt  }
0x58: {  	_ =	shalt  }
0x59: {  	_ =	shalt  }
0x5a: {  	_ =	shalt  }
0x5b: {  	_ =	shalt  }
0x5c: {  	_ =	shalt  }
0x5d: {  	_ =	shalt  }
0x5e: {  	_ =	shalt  }
0x5f: {  	_ =	shalt  }
0x60: {  	_ =	shalt  }
0x61: {  	_ =	shalt  }
0x62: {  	_ =	shalt  }
0x63: {  	_ =	shalt  }
0x64: {  	_ =	shalt  }
0x65: {  	_ =	shalt  }
0x66: {  	_ =	shalt  }
0x67: {  	_ =	shalt  }
0x68: {  	_ =	shalt  }
0x69: {  	_ =	shalt  }
0x6a: {  	_ =	shalt  }
0x6b: {  	_ =	shalt  }
0x6c: {  	_ =	shalt  }
0x6d: {  	_ =	shalt  }
0x6e: {  	_ =	shalt  }
0x6f: {  	_ =	shalt  }
0x70: {  	_ =	shalt  }
0x71: {  	_ =	shalt  }
0x72: {  	_ =	shalt  }
0x73: {  	_ =	shalt  }
0x74: {  	_ =	shalt  }
0x75: {  	_ =	shalt  }
0x76: {  	_ =	shalt  }
0x77: {  	_ =	shalt  }
0x78: {  	_ =	shalt  }
0x79: {  	_ =	shalt  }
0x7a: {  	_ =	shalt  }
0x7b: {  	_ =	shalt  }
0x7c: {  	_ =	shalt  }
0x7d: {  	_ =	shalt  }
0x7e: {  	_ =	shalt  }
0x7f: {  	_ =	shalt  }
0x80: {  	_ =	shalt  }
0x81: {  	_ =	shalt  }
0x82: {  	_ =	shalt  }
0x83: {  	_ =	shalt  }
0x84: {  	_ =	shalt  }
0x85: {  	_ =	shalt  }
0x86: {  	_ =	shalt  }
0x87: {  	_ =	shalt  }
.Lfunc_end0:
.L_simem_size_0:
called_computation_lowered:
.L_overlay_start_0:
0x88: {  	s2 =	sld [smem:$0x3FD9]  }
0x89: {  	s3 =	sld [smem:$0x3FFE];
	_ =	sdelay $0x1  }
0x8a: {  	s1 =	srdreg.scid  }
0x8b: {  	s0 =	sand.u32 $0x1, s1  }
0x8c: {  	s17 =	sshll.u32 s0, $0xA;
	s2 =	sadd.s32 s3, s2  }
0x8d: {  	s2 =	sadd.s32 s2, s17  }
0x8e: {  	[smem:$0x3FC6] =	sst s2  }
0x8f: {  	_ = 	snop  }
0x90: {  	s2 =	sld [smem:$0x3FC9]  }
0x91: {  	s18 =	sld [smem:$0x3FC8]  }
0x92: {  	s4 =	sld [smem:$0x3FD0];
	(tm) =	ssettm $0x1  }
0x93: {  	s5 =	sld [smem:$0x3FFB];
	_ =	sdelay $0x3  }
0x94: {  	_ =	strace s5  }
0x95: {  	s5 =	sld [smem:$0x3FFC];
	_ =	sdelay $0x3  }
0x96: {  	_ =	strace s5  }
0x97: {  	s5 =	sld [smem:$0x3FFD];
	_ =	sdelay $0x3  }
0x98: {  	_ =	strace s5  }
0x99: {  	_ =	strace $0x8FFFFFFF  }
0x9a: {  	s19 =	sld [smem:$0x3FDB];
	_ =	sdelay $0x1  }
0x9b: {  	s6 =	simm.s32 $_scs_section_size  }
0x9c: {  	s7 =	simm.s32 $_size__tile_overlayer_lowered;
	s8 =	simm.s32 $_tile_overlayer_lowered  }
0x9d: {  	s22 =	simm.s32 $0x1BFF;
	s21 =	sshll.u32 s8, $0x1;
	s5 =	sadd.s32 s6, s19  }
0x9e: {  	s9 =	simm.s32 $0x0;
	s20 =	sshll.u32 s7, $0x1;
	s7 =	sadd.s32 s21, s5  }
0x9f: {  	[timem:s9], [sflag:s22] =	dma.local [hbm:s7], s20  }
0xa0: {  	_ =	swait.ge [sflag:s22], s20  }
0xa1: {  	s6 =	ssub.s32 $0x0, s20;
	[sflag:s22] =	ssyncset.done $0x0  }
0xa2: {  	[sflag:s22] =	ssyncadd.s32 s6;
	_ =	sdelay $0x1  }
0xa3: {  	s23 =	simm.s32 $0x1B8B  }
0xa4: {  	_ =	swait.ge [sflag:s23], $0x1  }
0xa5: {  	[sflag:s23] =	ssyncset.done $0x0  }
0xa6: {  	s25 =	simm.s32 $0x1B8E;
	s24 =	sld [smem:$0x3FFE];
	[sflag:s23] =	ssyncadd.s32 $0xFFFFFFFF  }
0xa7: {  	s26 =	simm.s32 $execute0_lowered;
	[smem:$0x3FD2] =	sst s25  }
0xa8: {  	s7 =	sshll.u32 s26, $0x1;
	_ =	strace $0x80000046;
	[dreg:$0x1] =	wrdreg $0xFFFFFFFF  }
0xa9: {  	s28 =	simm.s32 $_size_execute0_lowered;
	s5 =	sadd.s32 s5, s7;
	[dreg:$0x0] =	wrdreg $0x0  }
0xaa: {  	s7 =	sshll.u32 s28, $0x1;
	[dreg:$0x2] =	wrdreg s5  }
0xab: {  	[dreg:$0x3] =	wrdreg s7  }
0xac: {  	[dreg:$0x4] =	wrdreg $0xC0  }
0xad: {  	_ =	task [dreg:s9], $0x5FFFF  }
0xae: {  	[dreg:$0x1] =	wrdreg $0xFFFFFFFF  }
0xaf: {  	[dreg:$0x0] =	wrdreg $0x60  }
0xb0: {  	[dreg:$0x2] =	wrdreg s18  }
0xb1: {  	[dreg:$0x3] =	wrdreg s2  }
0xb2: {  	[dreg:$0x4] =	wrdreg s4  }
0xb3: {  	[dreg:$0x5] =	wrdreg s24  }
0xb4: {  	[dreg:$0x6] =	wrdreg $0x9  }
0xb5: {  	_ =	task.clear_ibuf [dreg:s9], $0x7FFFF;
	_ =	strace $0x90000046  }
0xb6: {  	s29 =	simm.s32 $0x9;
	_ =	strace $0x80000048  }
0xb7: {  	_ =	swait.ge [sflag:s29], $0x1  }
0xb8: {  	[sflag:s29] =	ssyncadd.s32 $0xFFFFFFFF  }
0xb9: {  	_ =	strace $0x90000048  }
0xba: {  	_ =	sfence  }
0xbb: {  	s30 =	sld [smem:$0x0];
	_ =	sdelay $0x2  }
0xbc: {  	s31 =	sshll.u32 s1, $0xD;
	s1 =	sshrl.u32 s1, $0x2  }
0xbd: {  	s3 =	sand.u32 $0x4000, s31;
	s1 =	sadd.s32 s1, s30  }
0xbe: {  	s0 =	sor.u32 s3, s0;
	s1 =	sshll.u32 s1, $0x11  }
0xbf: {  	s0 =	sor.u32 s1, s0  }
0xc0: {  	s0 =	sadd.s32 $0x8F2B, s0  }
0xc1: {  	[sflag:s0] =	ssyncadd.remote.s32 $0x1  }
0xc2: {  	_ =	sfence.sel $0xFFFF  }
0xc3: {  	[dreg:$0x0] =	wrdreg $0xFFFFFFFF;
	(pc) =	sbr.abs _section_cstart, $3  }
0xc4: {  	[dreg:$0x1] =	wrdreg $0xFFFFFFFF  }
0xc5: {  	_ =	task.clear_ibuf [dreg:s9], $0x2FFFF;
	_ =	strace $0x9FFFFFFF  }
0xc6: {  	(tm) =	ssettm $0x7FFFFFFF  }
0xc7: {  	_ =	shalt  }
tec
execute0_lowered:
.L_overlay_start_1:
0x0: {  	(tag) =	ssettag $0x1  }
0x1: {  	s8 =	rddreg [dreg:$0x0]  }
0x2: {  	s1 =	rddreg [dreg:$0x1]  }
0x3: {  	s10 =	rddreg [dreg:$0x2];
	s2 =	srdreg.scid  }
0x4: {  	s0 =	stileid.u32;
	s4 =	rddreg [dreg:$0x3]  }
0x5: {  	s3 =	simm.s32 $0x0;
	s14 =	simm.s32 $0x4200;
	s15 =	simm.s32 $0x6100  }
0x6: {  	s16 =	simm.s32 $0x3;
	s17 =	simm.s32 $0x80;
	s18 =	simm.s32 $0x200  }
0x7: {  	s19 =	simm.s32 $0x280;
	s20 =	simm.s32 $0x100;
	s21 =	simm.s32 $0x300  }
0x8: {  	s22 =	simm.s32 $0x180;
	s23 =	simm.s32 $0x380;
	s24 =	simm.s32 $0x2  }
0x9: {  	s25 =	simm.s32 $0x1;
	s26 =	simm.s32 $0x8000;
	s28 =	simm.s32 $0x0  }
0xa: {  	s5 =	sand.u32 $0x1, s2;
	s6 =	sshll.u32 s0, $0x1;
	s2 =	rddreg [dreg:$0x4]  }
0xb: {  	[smem:$0x7FF] =	sst s3;
	s30 =	sshll.u32 s0, $0x7;
	s6 =	sor.u32 s5, s6  }
0xc: {  	_ =	strace $0x80000047;
	s9 =	ssub.s32 $0x2, s5;
	s31 =	sshll.u32 s5, $0x6  }
0xd: {  	s7 =	smul.u32 $0x7C00, s6;
	s6 =	sshll.u32 s6, $0x4;
	s11 =	sshrl.u32 s9, $0x1  }
0xe: {  	s13 =	sor.u32 s31, s30;
	s12 =	sadd.s32 s6, s4;
	s11 =	ssub.s32 s9, s11  }
0xf: {  	s8 =	sadd.s32 s8, s13;
	s10 =	sadd.s32 s10, s13;
	s7 =	smin.u32 s7, $0xEC640  }
0x10: {  	s13 =	simm.s32 $0x2300;
	s9 =	sadd.s32 $0xC00, s12;
	s29 =	sshrl.u32 s7, $0x3  }
0x11: {  	s11 =	smax.u32 s11, $0x1;
	s12 =	simm.s32 $0x400;
	s4 =	sadd.s32 s1, s29  }
0x12: {  	s5 =	sadd.s32 $0x3E0, s4;
	s6 =	sadd.s32 $0x7C0, s4;
	s7 =	sadd.s32 $0xBA0, s4  }
.LBB2_1:
0x13: {  	[tilespmem:s12], [sflag:$0x2] =	stream.linear.gather [hbm4b:s4+s3], $0x1F00, $0x38;
	[tilespmem:$0x8080] =	vst v63  }
0x14: {  	_ = 	snop  }
0x15: {  	[tilespmem:s13], [sflag:$0x2] =	stream.linear.gather [hbm4b:s5+s3], $0x1F00, $0x38;
	[tilespmem:$0x8080] =	vst v63  }
0x16: {  	_ = 	snop  }
0x17: {  	[tilespmem:s14], [sflag:$0x2] =	stream.linear.gather [hbm4b:s6+s3], $0x1F00, $0x38;
	[tilespmem:$0x8080] =	vst v63  }
0x18: {  	_ = 	snop  }
0x19: {  	[tilespmem:s15], [sflag:$0x2] =	stream.linear.gather [hbm4b:s7+s3], $0x1F00, $0x38;
	[tilespmem:$0x8080] =	vst v63  }
0x1a: {  	_ = 	snop  }
0x1b: {  	[tilespmem:s3], [sflag:$0x3] =	stream.linear.gather [hbm4b:s8+s3], $0x200, $0x38;
	[tilespmem:$0x8080] =	vst v63  }
0x1c: {  	_ =	swait.ge [sflag:s16], $0x200  }
0x1d: {  	[sflag:s16] =	ssyncset.done $0x0  }
0x1e: {  	[sflag:s16] =	ssyncadd.s32 $0xFFFFFE00  }
0x1f: {  	[tilespmem:s18], [sflag:$0x1] =	stream.indirect.gather [hbm4b:s1+s17], $0x1, s3, s17, $0xb8;
	[tilespmem:$0x8080] =	vst v63  }
0x20: {  	_ = 	snop  }
0x21: {  	[tilespmem:s19], [sflag:$0x1] =	stream.indirect.gather [hbm4b:s1+s17], $0x1, s17, s17, $0xb8;
	[tilespmem:$0x8080] =	vst v63  }
0x22: {  	_ = 	snop  }
0x23: {  	[tilespmem:s21], [sflag:$0x1] =	stream.indirect.gather [hbm4b:s1+s17], $0x1, s20, s17, $0xb8;
	[tilespmem:$0x8080] =	vst v63  }
0x24: {  	_ = 	snop  }
0x25: {  	[tilespmem:s23], [sflag:$0x1] =	stream.indirect.gather [hbm4b:s1+s17], $0x1, s22, s17, $0xb8;
	[tilespmem:$0x8080] =	vst v63  }
0x26: {  	_ =	swait.ge [sflag:s24], $0x1F00  }
0x27: {  	[sflag:s24] =	ssyncset.done $0x0  }
0x28: {  	s31 =	simm.s32 $0x0;
	[sflag:s24] =	ssyncadd.s32 $0xFFFFE100  }
0x29: {  	v0 =	vld [tilespmem:s31+$0x4F0]  }
0x2a: {  	v1 =	vld [tilespmem:s31+$0x400]  }
0x2b: {  	v2 =	vld [tilespmem:s31+$0x410]  }
0x2c: {  	v3 =	vld [tilespmem:s31+$0x420]  }
0x2d: {  	v4 =	vld [tilespmem:s31+$0x430]  }
0x2e: {  	v5 =	vld [tilespmem:s31+$0x440]  }
0x2f: {  	v6 =	vld [tilespmem:s31+$0x450]  }
0x30: {  	v7 =	vld [tilespmem:s31+$0x460]  }
0x31: {  	v8 =	vld [tilespmem:s31+$0x470]  }
0x32: {  	v9 =	vld [tilespmem:s31+$0x480]  }
0x33: {  	v11 =	vimm.f32 $-Inf;
	v10 =	vld [tilespmem:s31+$0x490]  }
0x34: {  	v12 =	vimm.f32 $-Inf;
	v13 =	vimm.f32 $-Inf;
	v14 =	vimm.f32 $-Inf;
	v16 =	vld [tilespmem:s31+$0x4A0]  }
0x35: {  	v15 =	vimm.f32 $-Inf;
	v17 =	vld [tilespmem:s31+$0x4B0];
	v0 =	vmax.f32 v11, v0;
	v1 =	vmax.f32 v11, v1  }
0x36: {  	v18 =	vld [tilespmem:s31+$0x4C0];
	v2 =	vmax.f32 v11, v2;
	v3 =	vmax.f32 v11, v3;
	v4 =	vmax.f32 v11, v4  }
0x37: {  	v19 =	vld [tilespmem:s31+$0x4D0];
	v5 =	vmax.f32 v11, v5;
	v6 =	vmax.f32 v11, v6;
	v7 =	vmax.f32 v11, v7  }
0x38: {  	s29 =	simm.s32 $0x100;
	s30 =	simm.s32 $0x800;
	v20 =	vld [tilespmem:s31+$0x4E0];
	v8 =	vmax.f32 v11, v8;
	v9 =	vmax.f32 v11, v9;
	v10 =	vmax.f32 v11, v10  }
.LBB2_2:
0x39: {  	p0 =	sne.s32 s30, $0x7800;
	v21 =	vld [tilespmem:s29+$0x4F0];
	v11 =	vmax.f32 v11, v16  }
0x3a: {  	v16 =	vld [tilespmem:s29+$0x400];
	v12 =	vmax.f32 v12, v17  }
0x3b: {  	v17 =	vld [tilespmem:s29+$0x410];
	v13 =	vmax.f32 v13, v18  }
0x3c: {  	v18 =	vld [tilespmem:s29+$0x420];
	v14 =	vmax.f32 v14, v19  }
0x3d: {  	v19 =	vld [tilespmem:s29+$0x430];
	v15 =	vmax.f32 v15, v20  }
0x3e: {  	v20 =	vld [tilespmem:s29+$0x440];
	v0 =	vmax.f32 v0, v21  }
0x3f: {  	v1 =	vmax.f32 v1, v16;
	v16 =	vld [tilespmem:s29+$0x450]  }
0x40: {  	v2 =	vmax.f32 v2, v17;
	v17 =	vld [tilespmem:s29+$0x460]  }
0x41: {  	v3 =	vmax.f32 v3, v18;
	v18 =	vld [tilespmem:s29+$0x470]  }
0x42: {  	v4 =	vmax.f32 v4, v19;
	v19 =	vld [tilespmem:s29+$0x480]  }
0x43: {  	v5 =	vmax.f32 v5, v20;
	v20 =	vld [tilespmem:s29+$0x490]  }
.Ltmp0:
0x44: {  	v6 =	vmax.f32 v6, v16;
	v16 =	vld [tilespmem:s29+$0x4A0];
	(pc) =	sbr.rel @p0 .LBB2_2-.Ltmp0, $4  }
0x45: {  	v7 =	vmax.f32 v7, v17;
	v17 =	vld [tilespmem:s29+$0x4B0]  }
0x46: {  	v8 =	vmax.f32 v8, v18;
	v18 =	vld [tilespmem:s29+$0x4C0]  }
0x47: {  	v9 =	vmax.f32 v9, v19;
	v19 =	vld [tilespmem:s29+$0x4D0]  }
0x48: {  	v10 =	vmax.f32 v10, v20;
	v20 =	vld [tilespmem:s29+$0x4E0];
	s29 =	sshra.s32 s30, $0x2;
	s30 =	sadd.s32 $0x400, s30  }
0x49: {  	v21 =	vld [tilespmem:s29+$0x4F0]  }
0x4a: {  	v22 =	vld [tilespmem:s29+$0x400]  }
0x4b: {  	v23 =	vld [tilespmem:s29+$0x410]  }
0x4c: {  	v24 =	vld [tilespmem:s29+$0x420]  }
0x4d: {  	v25 =	vld [tilespmem:s29+$0x430]  }
0x4e: {  	v26 =	vld [tilespmem:s29+$0x440]  }
0x4f: {  	v27 =	vld [tilespmem:s29+$0x450]  }
0x50: {  	v28 =	vld [tilespmem:s29+$0x460]  }
0x51: {  	v29 =	vld [tilespmem:s29+$0x470]  }
0x52: {  	v30 =	vld [tilespmem:s29+$0x480]  }
0x53: {  	v31 =	vld [tilespmem:s29+$0x490]  }
0x54: {  	v32 =	vld [tilespmem:s29+$0x4A0]  }
0x55: {  	v33 =	vld [tilespmem:s29+$0x4B0]  }
0x56: {  	v34 =	vld [tilespmem:s29+$0x4C0]  }
0x57: {  	v35 =	vld [tilespmem:s29+$0x4D0]  }
0x58: {  	v36 =	vld [tilespmem:s29+$0x4E0];
	_ =	swait.ge [sflag:s24], $0x1F00  }
0x59: {  	[sflag:s24] =	ssyncset.done $0x0  }
0x5a: {  	s31 =	simm.s32 $0x0;
	[sflag:s24] =	ssyncadd.s32 $0xFFFFE100  }
0x5b: {  	v37 =	vld [tilespmem:s31+$0x23F0]  }
0x5c: {  	v38 =	vld [tilespmem:s31+$0x2300]  }
0x5d: {  	v39 =	vld [tilespmem:s31+$0x2310]  }
0x5e: {  	v40 =	vld [tilespmem:s31+$0x2320]  }
0x5f: {  	v41 =	vld [tilespmem:s31+$0x2330]  }
0x60: {  	v11 =	vmax.f32 v11, v16;
	v12 =	vmax.f32 v12, v17;
	v42 =	vld [tilespmem:s31+$0x2340]  }
0x61: {  	v13 =	vmax.f32 v13, v18;
	v14 =	vmax.f32 v14, v19;
	v19 =	vld [tilespmem:s31+$0x2350];
	v15 =	vmax.f32 v15, v20  }
0x62: {  	v57 =	vld [tilespmem:s31+$0x2370];
	v17 =	vmax.f32 v0, v21;
	v18 =	vmax.f32 v1, v22;
	v20 =	vmax.f32 v2, v23  }
0x63: {  	v61 =	vld [tilespmem:s31+$0x2380];
	v22 =	vmax.f32 v3, v24;
	v23 =	vmax.f32 v4, v25;
	v56 =	vmax.f32 v5, v26  }
0x64: {  	v63 =	vld [tilespmem:s31+$0x2390];
	v58 =	vmax.f32 v6, v27;
	v59 =	vmax.f32 v7, v28;
	v60 =	vmax.f32 v8, v29  }
0x65: {  	v21 =	vld [tilespmem:s31+$0x2360];
	v9 =	vmax.f32 v9, v30;
	v62 =	vmax.f32 v10, v31;
	v0 =	vmax.f32 v11, v32  }
0x66: {  	v16 =	vld [tilespmem:s31+$0x23A0];
	v10 =	vmax.f32 v12, v33;
	v1 =	vmax.f32 v13, v34;
	v2 =	vmax.f32 v14, v35  }
0x67: {  	v11 =	vmax.f32 v15, v36;
	v3 =	vmax.f32 v17, v37;
	v4 =	vmax.f32 v18, v38;
	v17 =	vld [tilespmem:s31+$0x23B0]  }
0x68: {  	v12 =	vmax.f32 v20, v39;
	v5 =	vmax.f32 v22, v40;
	v6 =	vmax.f32 v23, v41;
	v18 =	vld [tilespmem:s31+$0x23C0]  }
0x69: {  	v13 =	vmax.f32 v56, v42;
	v7 =	vmax.f32 v58, v19;
	v19 =	vld [tilespmem:s31+$0x23D0];
	v14 =	vmax.f32 v60, v57  }
0x6a: {  	s29 =	simm.s32 $0x100;
	s30 =	simm.s32 $0x800;
	v9 =	vmax.f32 v9, v61;
	v15 =	vmax.f32 v62, v63;
	v20 =	vld [tilespmem:s31+$0x23E0];
	v8 =	vmax.f32 v59, v21  }
.LBB2_4:
0x6b: {  	p0 =	sne.s32 s30, $0x7800;
	v21 =	vld [tilespmem:s29+$0x23F0];
	v0 =	vmax.f32 v0, v16  }
0x6c: {  	v16 =	vld [tilespmem:s29+$0x2300];
	v10 =	vmax.f32 v10, v17  }
0x6d: {  	v17 =	vld [tilespmem:s29+$0x2310];
	v1 =	vmax.f32 v1, v18  }
0x6e: {  	v18 =	vld [tilespmem:s29+$0x2320];
	v2 =	vmax.f32 v2, v19  }
0x6f: {  	v19 =	vld [tilespmem:s29+$0x2330];
	v11 =	vmax.f32 v11, v20  }
0x70: {  	v20 =	vld [tilespmem:s29+$0x2340];
	v3 =	vmax.f32 v3, v21  }
0x71: {  	v4 =	vmax.f32 v4, v16;
	v16 =	vld [tilespmem:s29+$0x2350]  }
0x72: {  	v12 =	vmax.f32 v12, v17;
	v17 =	vld [tilespmem:s29+$0x2360]  }
0x73: {  	v5 =	vmax.f32 v5, v18;
	v18 =	vld [tilespmem:s29+$0x2370]  }
0x74: {  	v6 =	vmax.f32 v6, v19;
	v19 =	vld [tilespmem:s29+$0x2380]  }
0x75: {  	v13 =	vmax.f32 v13, v20;
	v20 =	vld [tilespmem:s29+$0x2390]  }
.Ltmp1:
0x76: {  	v7 =	vmax.f32 v7, v16;
	v16 =	vld [tilespmem:s29+$0x23A0];
	(pc) =	sbr.rel @p0 .LBB2_4-.Ltmp1, $4  }
0x77: {  	v8 =	vmax.f32 v8, v17;
	v17 =	vld [tilespmem:s29+$0x23B0]  }
0x78: {  	v14 =	vmax.f32 v14, v18;
	v18 =	vld [tilespmem:s29+$0x23C0]  }
0x79: {  	v9 =	vmax.f32 v9, v19;
	v19 =	vld [tilespmem:s29+$0x23D0]  }
0x7a: {  	v15 =	vmax.f32 v15, v20;
	v20 =	vld [tilespmem:s29+$0x23E0];
	s29 =	sshra.s32 s30, $0x2;
	s30 =	sadd.s32 $0x400, s30  }
0x7b: {  	v21 =	vld [tilespmem:s29+$0x23F0]  }
0x7c: {  	v22 =	vld [tilespmem:s29+$0x2300]  }
0x7d: {  	v23 =	vld [tilespmem:s29+$0x2310]  }
0x7e: {  	v24 =	vld [tilespmem:s29+$0x2320]  }
0x7f: {  	v25 =	vld [tilespmem:s29+$0x2330]  }
0x80: {  	v26 =	vld [tilespmem:s29+$0x2340]  }
0x81: {  	v27 =	vld [tilespmem:s29+$0x2350]  }
0x82: {  	v28 =	vld [tilespmem:s29+$0x2360]  }
0x83: {  	v29 =	vld [tilespmem:s29+$0x2370]  }
0x84: {  	v30 =	vld [tilespmem:s29+$0x2380]  }
0x85: {  	v31 =	vld [tilespmem:s29+$0x2390]  }
0x86: {  	v32 =	vld [tilespmem:s29+$0x23A0]  }
0x87: {  	v33 =	vld [tilespmem:s29+$0x23B0]  }
0x88: {  	v34 =	vld [tilespmem:s29+$0x23C0]  }
0x89: {  	v35 =	vld [tilespmem:s29+$0x23D0]  }
0x8a: {  	v36 =	vld [tilespmem:s29+$0x23E0];
	_ =	swait.ge [sflag:s24], $0x1F00  }
0x8b: {  	[sflag:s24] =	ssyncset.done $0x0  }
0x8c: {  	s31 =	simm.s32 $0x0;
	[sflag:s24] =	ssyncadd.s32 $0xFFFFE100  }
0x8d: {  	v37 =	vld [tilespmem:s31+$0x42F0]  }
0x8e: {  	v38 =	vld [tilespmem:s31+$0x4200]  }
0x8f: {  	v39 =	vld [tilespmem:s31+$0x4210]  }
0x90: {  	v40 =	vld [tilespmem:s31+$0x4220]  }
0x91: {  	v41 =	vld [tilespmem:s31+$0x4230]  }
0x92: {  	v0 =	vmax.f32 v0, v16;
	v10 =	vmax.f32 v10, v17;
	v42 =	vld [tilespmem:s31+$0x4240]  }
0x93: {  	v1 =	vmax.f32 v1, v18;
	v2 =	vmax.f32 v2, v19;
	v19 =	vld [tilespmem:s31+$0x4250];
	v11 =	vmax.f32 v11, v20  }
0x94: {  	v20 =	vld [tilespmem:s31+$0x4260];
	v3 =	vmax.f32 v3, v21;
	v4 =	vmax.f32 v4, v22;
	v12 =	vmax.f32 v12, v23  }
0x95: {  	v5 =	vmax.f32 v5, v24;
	v6 =	vmax.f32 v6, v25;
	v13 =	vmax.f32 v13, v26;
	v21 =	vld [tilespmem:s31+$0x4270]  }
0x96: {  	v7 =	vmax.f32 v7, v27;
	v8 =	vmax.f32 v8, v28;
	v14 =	vmax.f32 v14, v29;
	v22 =	vld [tilespmem:s31+$0x4280]  }
0x97: {  	v9 =	vmax.f32 v9, v30;
	v15 =	vmax.f32 v15, v31;
	v0 =	vmax.f32 v0, v32;
	v23 =	vld [tilespmem:s31+$0x4290]  }
0x98: {  	v16 =	vld [tilespmem:s31+$0x42A0];
	v10 =	vmax.f32 v10, v33;
	v1 =	vmax.f32 v1, v34;
	v2 =	vmax.f32 v2, v35  }
0x99: {  	v17 =	vld [tilespmem:s31+$0x42B0];
	v11 =	vmax.f32 v11, v36;
	v3 =	vmax.f32 v3, v37;
	v4 =	vmax.f32 v4, v38  }
0x9a: {  	v18 =	vld [tilespmem:s31+$0x42C0];
	v12 =	vmax.f32 v12, v39;
	v5 =	vmax.f32 v5, v40;
	v6 =	vmax.f32 v6, v41  }
0x9b: {  	v13 =	vmax.f32 v13, v42;
	v7 =	vmax.f32 v7, v19;
	v19 =	vld [tilespmem:s31+$0x42D0];
	v8 =	vmax.f32 v8, v20  }
0x9c: {  	s29 =	simm.s32 $0x100;
	s30 =	simm.s32 $0x800;
	v20 =	vld [tilespmem:s31+$0x42E0];
	v14 =	vmax.f32 v14, v21;
	v9 =	vmax.f32 v9, v22;
	v15 =	vmax.f32 v15, v23  }
.LBB2_6:
0x9d: {  	p0 =	sne.s32 s30, $0x7800;
	v21 =	vld [tilespmem:s29+$0x42F0];
	v0 =	vmax.f32 v0, v16  }
0x9e: {  	v16 =	vld [tilespmem:s29+$0x4200];
	v10 =	vmax.f32 v10, v17  }
0x9f: {  	v17 =	vld [tilespmem:s29+$0x4210];
	v1 =	vmax.f32 v1, v18  }
0xa0: {  	v18 =	vld [tilespmem:s29+$0x4220];
	v2 =	vmax.f32 v2, v19  }
0xa1: {  	v19 =	vld [tilespmem:s29+$0x4230];
	v11 =	vmax.f32 v11, v20  }
0xa2: {  	v20 =	vld [tilespmem:s29+$0x4240];
	v3 =	vmax.f32 v3, v21  }
0xa3: {  	v4 =	vmax.f32 v4, v16;
	v16 =	vld [tilespmem:s29+$0x4250]  }
0xa4: {  	v12 =	vmax.f32 v12, v17;
	v17 =	vld [tilespmem:s29+$0x4260]  }
0xa5: {  	v5 =	vmax.f32 v5, v18;
	v18 =	vld [tilespmem:s29+$0x4270]  }
0xa6: {  	v6 =	vmax.f32 v6, v19;
	v19 =	vld [tilespmem:s29+$0x4280]  }
0xa7: {  	v13 =	vmax.f32 v13, v20;
	v20 =	vld [tilespmem:s29+$0x4290]  }
.Ltmp2:
0xa8: {  	v7 =	vmax.f32 v7, v16;
	v16 =	vld [tilespmem:s29+$0x42A0];
	(pc) =	sbr.rel @p0 .LBB2_6-.Ltmp2, $4  }
0xa9: {  	v8 =	vmax.f32 v8, v17;
	v17 =	vld [tilespmem:s29+$0x42B0]  }
0xaa: {  	v14 =	vmax.f32 v14, v18;
	v18 =	vld [tilespmem:s29+$0x42C0]  }
0xab: {  	v9 =	vmax.f32 v9, v19;
	v19 =	vld [tilespmem:s29+$0x42D0]  }
0xac: {  	v15 =	vmax.f32 v15, v20;
	v20 =	vld [tilespmem:s29+$0x42E0];
	s29 =	sshra.s32 s30, $0x2;
	s30 =	sadd.s32 $0x400, s30  }
0xad: {  	v21 =	vld [tilespmem:s29+$0x42F0]  }
0xae: {  	v22 =	vld [tilespmem:s29+$0x4200]  }
0xaf: {  	v23 =	vld [tilespmem:s29+$0x4210]  }
0xb0: {  	v24 =	vld [tilespmem:s29+$0x4220]  }
0xb1: {  	v25 =	vld [tilespmem:s29+$0x4230]  }
0xb2: {  	v26 =	vld [tilespmem:s29+$0x4240]  }
0xb3: {  	v27 =	vld [tilespmem:s29+$0x4250]  }
0xb4: {  	v28 =	vld [tilespmem:s29+$0x4260]  }
0xb5: {  	v29 =	vld [tilespmem:s29+$0x4270]  }
0xb6: {  	v30 =	vld [tilespmem:s29+$0x4280]  }
0xb7: {  	v31 =	vld [tilespmem:s29+$0x4290]  }
0xb8: {  	v32 =	vld [tilespmem:s29+$0x42A0]  }
0xb9: {  	v33 =	vld [tilespmem:s29+$0x42B0]  }
0xba: {  	v34 =	vld [tilespmem:s29+$0x42C0]  }
0xbb: {  	v35 =	vld [tilespmem:s29+$0x42D0]  }
0xbc: {  	v36 =	vld [tilespmem:s29+$0x42E0];
	_ =	swait.ge [sflag:s24], $0x1F00  }
0xbd: {  	[sflag:s24] =	ssyncset.done $0x0  }
0xbe: {  	s31 =	simm.s32 $0x0;
	[sflag:s24] =	ssyncadd.s32 $0xFFFFE100  }
0xbf: {  	v37 =	vld [tilespmem:s31+$0x61F0]  }
0xc0: {  	v38 =	vld [tilespmem:s31+$0x6100]  }
0xc1: {  	v39 =	vld [tilespmem:s31+$0x6110]  }
0xc2: {  	v40 =	vld [tilespmem:s31+$0x6120]  }
0xc3: {  	v41 =	vld [tilespmem:s31+$0x6130]  }
0xc4: {  	v0 =	vmax.f32 v0, v16;
	v10 =	vmax.f32 v10, v17;
	v42 =	vld [tilespmem:s31+$0x6140]  }
0xc5: {  	v1 =	vmax.f32 v1, v18;
	v2 =	vmax.f32 v2, v19;
	v19 =	vld [tilespmem:s31+$0x6150];
	v11 =	vmax.f32 v11, v20  }
0xc6: {  	v60 =	vld [tilespmem:s31+$0x6180];
	v3 =	vmax.f32 v3, v21;
	v4 =	vmax.f32 v4, v22;
	v12 =	vmax.f32 v12, v23  }
0xc7: {  	v63 =	vld [tilespmem:s31+$0x6190];
	v5 =	vmax.f32 v5, v24;
	v6 =	vmax.f32 v6, v25;
	v21 =	vmax.f32 v13, v26  }
0xc8: {  	v20 =	vld [tilespmem:s31+$0x6160];
	v23 =	vmax.f32 v7, v27;
	v58 =	vmax.f32 v8, v28;
	v59 =	vmax.f32 v14, v29  }
0xc9: {  	v22 =	vld [tilespmem:s31+$0x6170];
	v61 =	vmax.f32 v9, v30;
	v62 =	vmax.f32 v15, v31;
	v15 =	vmax.f32 v0, v32  }
0xca: {  	v16 =	vld [tilespmem:s31+$0x61A0];
	v13 =	vmax.f32 v10, v33;
	v14 =	vmax.f32 v1, v34;
	v9 =	vmax.f32 v2, v35  }
0xcb: {  	v17 =	vld [tilespmem:s31+$0x61B0];
	v11 =	vmax.f32 v11, v36;
	v0 =	vmax.f32 v3, v37;
	v10 =	vmax.f32 v4, v38  }
0xcc: {  	v18 =	vld [tilespmem:s31+$0x61C0];
	v12 =	vmax.f32 v12, v39;
	v8 =	vmax.f32 v5, v40;
	v7 =	vmax.f32 v6, v41  }
0xcd: {  	v6 =	vmax.f32 v21, v42;
	v5 =	vmax.f32 v23, v19;
	v19 =	vld [tilespmem:s31+$0x61D0];
	v2 =	vmax.f32 v61, v60  }
0xce: {  	s29 =	simm.s32 $0x100;
	s30 =	simm.s32 $0x800;
	v1 =	vmax.f32 v62, v63;
	v4 =	vmax.f32 v58, v20;
	v20 =	vld [tilespmem:s31+$0x61E0];
	v3 =	vmax.f32 v59, v22  }
.LBB2_8:
0xcf: {  	p0 =	sne.s32 s30, $0x7800;
	v21 =	vld [tilespmem:s29+$0x61F0];
	v15 =	vmax.f32 v15, v16  }
0xd0: {  	v16 =	vld [tilespmem:s29+$0x6100];
	v13 =	vmax.f32 v13, v17  }
0xd1: {  	v17 =	vld [tilespmem:s29+$0x6110];
	v14 =	vmax.f32 v14, v18  }
0xd2: {  	v18 =	vld [tilespmem:s29+$0x6120];
	v9 =	vmax.f32 v9, v19  }
0xd3: {  	v19 =	vld [tilespmem:s29+$0x6130];
	v11 =	vmax.f32 v11, v20  }
0xd4: {  	v20 =	vld [tilespmem:s29+$0x6140];
	v0 =	vmax.f32 v0, v21  }
0xd5: {  	v10 =	vmax.f32 v10, v16;
	v16 =	vld [tilespmem:s29+$0x6150]  }
0xd6: {  	v12 =	vmax.f32 v12, v17;
	v17 =	vld [tilespmem:s29+$0x6160]  }
0xd7: {  	v8 =	vmax.f32 v8, v18;
	v18 =	vld [tilespmem:s29+$0x6170]  }
0xd8: {  	v7 =	vmax.f32 v7, v19;
	v19 =	vld [tilespmem:s29+$0x6180]  }
0xd9: {  	v6 =	vmax.f32 v6, v20;
	v20 =	vld [tilespmem:s29+$0x6190]  }
.Ltmp3:
0xda: {  	v5 =	vmax.f32 v5, v16;
	v16 =	vld [tilespmem:s29+$0x61A0];
	(pc) =	sbr.rel @p0 .LBB2_8-.Ltmp3, $4  }
0xdb: {  	v4 =	vmax.f32 v4, v17;
	v17 =	vld [tilespmem:s29+$0x61B0]  }
0xdc: {  	v3 =	vmax.f32 v3, v18;
	v18 =	vld [tilespmem:s29+$0x61C0]  }
0xdd: {  	v2 =	vmax.f32 v2, v19;
	v19 =	vld [tilespmem:s29+$0x61D0]  }
0xde: {  	v1 =	vmax.f32 v1, v20;
	v20 =	vld [tilespmem:s29+$0x61E0];
	s29 =	sshra.s32 s30, $0x2;
	s30 =	sadd.s32 $0x400, s30  }
0xdf: {  	v21 =	vld [tilespmem:s29+$0x61F0]  }
0xe0: {  	v22 =	vld [tilespmem:s29+$0x6100]  }
0xe1: {  	v23 =	vld [tilespmem:s29+$0x6110]  }
0xe2: {  	v24 =	vld [tilespmem:s29+$0x6120]  }
0xe3: {  	v25 =	vld [tilespmem:s29+$0x6130]  }
0xe4: {  	v26 =	vld [tilespmem:s29+$0x6140]  }
0xe5: {  	v27 =	vld [tilespmem:s29+$0x6150]  }
0xe6: {  	v28 =	vld [tilespmem:s29+$0x6160]  }
0xe7: {  	v29 =	vld [tilespmem:s29+$0x6170]  }
0xe8: {  	v30 =	vld [tilespmem:s29+$0x6180]  }
0xe9: {  	v31 =	vld [tilespmem:s29+$0x6190]  }
0xea: {  	v32 =	vld [tilespmem:s29+$0x61A0]  }
0xeb: {  	v33 =	vld [tilespmem:s29+$0x61B0]  }
0xec: {  	v34 =	vld [tilespmem:s29+$0x61C0]  }
0xed: {  	v35 =	vld [tilespmem:s29+$0x61D0]  }
0xee: {  	v36 =	vld [tilespmem:s29+$0x61E0];
	_ =	swait.ge [sflag:s25], $0x80  }
0xef: {  	[sflag:s25] =	ssyncset.done $0x0  }
0xf0: {  	[sflag:s25] =	ssyncadd.s32 $0xFFFFFF80  }
0xf1: {  	_ =	swait.ge [sflag:s25], $0x80  }
0xf2: {  	[sflag:s25] =	ssyncset.done $0x0  }
0xf3: {  	[sflag:s25] =	ssyncadd.s32 $0xFFFFFF80  }
0xf4: {  	_ =	swait.ge [sflag:s25], $0x80  }
0xf5: {  	[sflag:s25] =	ssyncset.done $0x0  }
0xf6: {  	[sflag:s25] =	ssyncadd.s32 $0xFFFFFF80  }
0xf7: {  	_ =	swait.ge [sflag:s25], $0x80  }
0xf8: {  	[sflag:s25] =	ssyncset.done $0x0  }
0xf9: {  	[sflag:s25] =	ssyncadd.s32 $0xFFFFFF80  }
0xfa: {  	v37 =	vld [tilespmem:$0x200]  }
0xfb: {  	v38 =	vld [tilespmem:$0x210]  }
0xfc: {  	v39 =	vld [tilespmem:$0x220]  }
0xfd: {  	v40 =	vld [tilespmem:$0x230]  }
0xfe: {  	v41 =	vld [tilespmem:$0x240]  }
0xff: {  	v42 =	vld [tilespmem:$0x250]  }
0x100: {  	v48 =	vld [tilespmem:$0x260];
	v37 =	vmax.f32 v37, v38  }
0x101: {  	v49 =	vld [tilespmem:$0x270];
	v37 =	vmax.f32 v37, v39  }
0x102: {  	v50 =	vld [tilespmem:$0x280];
	v37 =	vmax.f32 v37, v40  }
0x103: {  	v51 =	vld [tilespmem:$0x290];
	v37 =	vmax.f32 v37, v41  }
0x104: {  	v52 =	vld [tilespmem:$0x2A0];
	v37 =	vmax.f32 v37, v42  }
0x105: {  	v53 =	vld [tilespmem:$0x2B0];
	v37 =	vmax.f32 v37, v48  }
0x106: {  	v54 =	vld [tilespmem:$0x2C0];
	v37 =	vmax.f32 v37, v49  }
0x107: {  	v55 =	vld [tilespmem:$0x2D0];
	v37 =	vmax.f32 v37, v50  }
0x108: {  	v56 =	vld [tilespmem:$0x2E0];
	v37 =	vmax.f32 v37, v51  }
0x109: {  	v57 =	vld [tilespmem:$0x2F0];
	v37 =	vmax.f32 v37, v52  }
0x10a: {  	v58 =	vld [tilespmem:$0x300];
	v37 =	vmax.f32 v37, v53  }
0x10b: {  	v59 =	vld [tilespmem:$0x310];
	v37 =	vmax.f32 v37, v54  }
0x10c: {  	v60 =	vld [tilespmem:$0x320];
	v37 =	vmax.f32 v37, v55  }
0x10d: {  	v61 =	vld [tilespmem:$0x330];
	v37 =	vmax.f32 v37, v56  }
0x10e: {  	v15 =	vmax.f32 v15, v16;
	v63 =	vld [tilespmem:$0x340];
	v62 =	vmax.f32 v37, v57  }
0x10f: {  	v13 =	vmax.f32 v13, v17;
	v14 =	vmax.f32 v14, v18;
	v38 =	vld [tilespmem:$0x350];
	v16 =	vmax.f32 v62, v58  }
0x110: {  	v9 =	vmax.f32 v9, v19;
	v11 =	vmax.f32 v11, v20;
	v39 =	vld [tilespmem:$0x360];
	v16 =	vmax.f32 v16, v59  }
0x111: {  	v10 =	vmax.f32 v10, v22;
	v12 =	vmax.f32 v12, v23;
	v40 =	vld [tilespmem:$0x370];
	v16 =	vmax.f32 v16, v60  }
0x112: {  	v8 =	vmax.f32 v8, v24;
	v10 =	vmax.f32 v10, v12;
	v43 =	vld [tilespmem:$0x380];
	v42 =	vmax.f32 v16, v61  }
0x113: {  	v7 =	vmax.f32 v7, v25;
	v8 =	vmax.f32 v10, v8;
	v45 =	vld [tilespmem:$0x390];
	v44 =	vmax.f32 v42, v63  }
0x114: {  	v6 =	vmax.f32 v6, v26;
	v7 =	vmax.f32 v8, v7;
	v47 =	vld [tilespmem:$0x3A0];
	v46 =	vmax.f32 v44, v38  }
0x115: {  	v5 =	vmax.f32 v5, v27;
	v6 =	vmax.f32 v7, v6;
	v49 =	vld [tilespmem:$0x3B0];
	v48 =	vmax.f32 v46, v39  }
0x116: {  	v4 =	vmax.f32 v4, v28;
	v5 =	vmax.f32 v6, v5;
	v51 =	vld [tilespmem:$0x3C0];
	v50 =	vmax.f32 v48, v40  }
0x117: {  	v3 =	vmax.f32 v3, v29;
	v4 =	vmax.f32 v5, v4;
	v53 =	vld [tilespmem:$0x3D0];
	v52 =	vmax.f32 v50, v43  }
0x118: {  	v2 =	vmax.f32 v2, v30;
	v3 =	vmax.f32 v4, v3;
	v55 =	vld [tilespmem:$0x3E0];
	v54 =	vmax.f32 v52, v45  }
0x119: {  	v1 =	vmax.f32 v1, v31;
	v2 =	vmax.f32 v3, v2;
	v57 =	vld [tilespmem:$0x3F0];
	v56 =	vmax.f32 v54, v47  }
0x11a: {  	v1 =	vmax.f32 v2, v1;
	v58 =	vmax.f32 v15, v32;
	v59 =	vmax.f32 v56, v49  }
0x11b: {  	v1 =	vmax.f32 v1, v58;
	v60 =	vmax.f32 v13, v33;
	v2 =	vmax.f32 v59, v51  }
0x11c: {  	v61 =	vmax.f32 v14, v34;
	v1 =	vmax.f32 v1, v60;
	v2 =	vmax.f32 v2, v53  }
0x11d: {  	v62 =	vmax.f32 v9, v35;
	v1 =	vmax.f32 v1, v61;
	v2 =	vmax.f32 v2, v55  }
0x11e: {  	v63 =	vmax.f32 v11, v36;
	v1 =	vmax.f32 v1, v62;
	v2 =	vmax.f32 v2, v57  }
0x11f: {  	v0 =	vmax.f32 v0, v21;
	v1 =	vmax.f32 v1, v63;
	v2 =	vadd.f32 $1.000000000e+00, v2  }
0x120: {  	v0 =	vmax.f32 v1, v0  }
0x121: {  	v0 =	vmax.f32 v0, v2  }
0x122: {  	[tilespmem:$0x8000] =	vst v0  }
0x123: {  	[hbm4b:s9+s3] =	stream.linear.scatter [tilespmem:s26], [sflag:$0x3], $0x80, $0x38;
	[tilespmem:$0x8080] =	vst v63  }
0x124: {  	s28 =	sadd.s32 $0x1, s28;
	_ =	swait.ge [sflag:s16], $0x80  }
0x125: {  	p0 =	sne.s32 s28, s11;
	[sflag:s16] =	ssyncset.done $0x0  }
.Ltmp4:
0x126: {  	[sflag:s16] =	ssyncadd.s32 $0xFFFFFF80;
	(pc) =	sbr.rel @p0 .LBB2_1-.Ltmp4, $4  }
0x127: {  	[hbm4b:s10+s3] =	stream.linear.scatter [tilespmem:s18], [sflag:$0x3], $0x200, $0x38;
	[tilespmem:$0x8080] =	vst v63  }
0x128: {  	_ =	swait.ge [sflag:s16], $0x200  }
0x129: {  	[sflag:s16] =	ssyncset.done $0x0  }
0x12a: {  	[sflag:s16] =	ssyncadd.s32 $0xFFFFFE00  }
0x12b: {  	_ =	sfence.sel $0x180000  }
0x12c: {  	[bflag:$0x0] =	sbarrier.arrive $0xFFFF  }
0x12d: {  	p0 =	sne.s32 s0, $0x0;
	_ =	strace $0x90000047  }
0x12e: {  	s0 =	sadd.s32 @!p0 $0x100000, s2;
	[bflag:$0x2] =	sbarrier.arrive $0xFFFF  }
0x12f: {  	[sflag:s0] =	ssyncadd.tile.s32 @!p0 $0x1;
	_ =	shalt  }
.Lfunc_end2:
_tile_overlayer_lowered:
.L_overlay_start_2:
0x130: {  	(tag) =	ssettag $0x2  }
0x131: {  	s0 =	rddreg [dreg:$0x0];
	s2 =	stileid.u32  }
0x132: {  	s1 =	rddreg [dreg:$0x1];
	p0 =	sne.s32 s2, $0x0  }
0x133: {  	s3 =	rddreg [dreg:$0x2];
	[bflag:$0x3] =	sbarrier.arrive $0xFFFF;
	s2 =	simm.s32 @!p0 $0x1C03  }
0x134: {  	[timem:s3], [sflag:s2] =	dma.local @!p0 [hbm:s0], s1  }
0x135: {  	s0 =	simm.s32 @!p0 $0x3  }
0x136: {  	_ =	swait.ge @!p0 [sflag:s0], s1  }
0x137: {  	s1 =	ssub.s32 @!p0 $0x0, s1;
	[sflag:s0] =	ssyncset.done @!p0 $0x0  }
0x138: {  	[sflag:s0] =	ssyncadd.s32 @!p0 s1  }
0x139: {  	[bflag:$0x3] =	sbarrier.arrive $0xFFFF  }
0x13a: {  	_ =	shalt  }

</sc_bundles>
